<compile_context>
chip_gen: v7x
topology: tpu7x:2x2x1
jax: 0.10.2.dev20260603
libtpu: 0.0.44.dev20260713+nightly
codegen_flags: <defaults>
</compile_context>

<pallas_src>
import functools

import jax
import jax.numpy as jnp
from jax import lax
from jax.experimental import pallas as pl
from jax.experimental.pallas import tpu as pltpu
from jax.experimental.pallas import tpu_sc as plsc

G = 8
S = 4096
Z = 64
C = 64
H = 4 * Z

NC = 2
NS = 16
L = 16
NW = NC * NS
NPW = (G * S) // NW
NWG = NW // G
GROUPS = NPW // L

_mesh = plsc.VectorSubcoreMesh(core_axis_name="c", subcore_axis_name="s")
_sc_params = pltpu.CompilerParams(needs_layout_passes=False)


@functools.partial(
    pl.kernel,
    out_type=jax.ShapeDtypeStruct((G, NWG, C * Z), jnp.float32),
    mesh=_mesh,
    scratch_types=[
        pltpu.VMEM((NPW * Z,), jnp.float32),
        pltpu.VMEM((NPW,), jnp.int32),
        pltpu.VMEM((C * Z,), jnp.float32),
    ],
    compiler_params=_sc_params,
)
def _segsum(x_hbm, lab_hbm, sums_hbm, x_v, lab_v, acc_v):
    wid = lax.axis_index("s") * NC + lax.axis_index("c")
    g = wid // NWG
    q = wid % NWG
    base = wid * NPW
    pltpu.sync_copy(x_hbm.at[pl.ds(base * Z, NPW * Z)], x_v)
    pltpu.sync_copy(lab_hbm.at[pl.ds(base, NPW)], lab_v)

    zero = jnp.zeros((L,), jnp.float32)

    def zbody(i, carry):
        acc_v[pl.ds(i * L, L)] = zero
        return carry

    lax.fori_loop(0, (C * Z) // L, zbody, 0)

    iota = lax.iota(jnp.int32, L)

    @plsc.parallel_loop(0, NPW, step=1, unroll=L)
    def _node(node):
        lbl = plsc.load_gather(lab_v, [lax.broadcast(node, (L,))])
        sbase = lbl * Z + iota
        for fc in range(Z // L):
            xv = x_v[pl.ds(node * Z + fc * L, L)]
            plsc.addupdate_scatter(acc_v, [sbase + fc * L], xv)

    pltpu.sync_copy(acc_v, sums_hbm.at[g, q])


G2 = 8


def _tc_tail_body(sums_ref, lab_ref, w1_ref, b1_ref, w2_ref, b2_ref, x_ref,
                  out_ref):
    for i in range(G2):
        s = jnp.sum(sums_ref[i], axis=0)
        lab = lab_ref[i, 0]
        onehot = (lab[:, None] == lax.broadcasted_iota(jnp.int32, (S, C), 1))
        onehot = onehot.astype(jnp.float32)
        cnt = jnp.sum(onehot, axis=0)
        m = s / jnp.maximum(cnt, 1.0)[:, None]
        hc = jnp.maximum(
            jnp.dot(m, w1_ref[...], preferred_element_type=jnp.float32)
            + b1_ref[0],
            0.0,
        )
        oc = jnp.dot(hc, w2_ref[...],
                     preferred_element_type=jnp.float32) + b2_ref[0]
        out_ref[i] = x_ref[i] + jnp.dot(
            onehot, oc, preferred_element_type=jnp.float32
        )


_tc_tail = pl.pallas_call(
    _tc_tail_body,
    grid=(G // G2,),
    in_specs=[
        pl.BlockSpec((G2, NWG, C, Z), lambda g: (g, 0, 0, 0)),
        pl.BlockSpec((G2, 1, S), lambda g: (g, 0, 0)),
        pl.BlockSpec((Z, H), lambda g: (0, 0)),
        pl.BlockSpec((1, H), lambda g: (0, 0)),
        pl.BlockSpec((H, Z), lambda g: (0, 0)),
        pl.BlockSpec((1, Z), lambda g: (0, 0)),
        pl.BlockSpec((G2, S, Z), lambda g: (g, 0, 0)),
    ],
    out_specs=pl.BlockSpec((G2, S, Z), lambda g: (g, 0, 0)),
    out_shape=jax.ShapeDtypeStruct((G, S, Z), jnp.float32),
    compiler_params=pltpu.CompilerParams(
        dimension_semantics=("parallel",),
    ),
)


def kernel(graph_input_raw, graph_label, W1, b1, W2, b2):
    x_flat = graph_input_raw.reshape(-1)
    lab_flat = graph_label.reshape(-1)
    sums = _segsum(x_flat, lab_flat)
    return _tc_tail(
        sums.reshape(G, NWG, C, Z),
        graph_label.reshape(G, 1, S),
        W1,
        b1.reshape(1, H),
        W2,
        b2.reshape(1, Z),
        graph_input_raw,
    )

# --- scband reference (transcript-rebuilt; emitter-appended) ---
"""Pipeline reference for scband-graph-func-28303834480920 (READ-ONLY COPY).

The authoritative reference and input builder live on the scoring server;
editing this copy changes nothing except your own understanding.
"""

import jax, jax.numpy as jnp
import numpy as np

G = 8      # set_length (number of graphs)
S = 4096   # set_size (nodes per graph)
Z = 64     # z_dim
C = 64     # number of label classes (fill_max for graph_label)


def setup_inputs(seed: int = 0) -> dict:
    key = jax.random.key(seed)
    k1, k2, k3, k4, k5, k6 = jax.random.split(key, 6)
    graph_input_raw = jax.random.normal(k1, (G, S, Z), dtype=jnp.float32)
    graph_label = jax.random.randint(k2, (G, S), 0, C).astype(jnp.int32)
    # GraphConvolution params, torch-style uniform(-stdv, stdv) with stdv = 1/sqrt(out_features)
    stdv1 = 1.0 / np.sqrt(4 * Z)
    W1 = jax.random.uniform(k3, (Z, 4 * Z), minval=-stdv1, maxval=stdv1, dtype=jnp.float32)
    b1 = jax.random.uniform(k4, (4 * Z,), minval=-stdv1, maxval=stdv1, dtype=jnp.float32)
    stdv2 = 1.0 / np.sqrt(Z)
    W2 = jax.random.uniform(k5, (4 * Z, Z), minval=-stdv2, maxval=stdv2, dtype=jnp.float32)
    b2 = jax.random.uniform(k6, (Z,), minval=-stdv2, maxval=stdv2, dtype=jnp.float32)
    return {"graph_input_raw": graph_input_raw, "graph_label": graph_label,
            "W1": W1, "b1": b1, "W2": W2, "b2": b2}


def _seg_mean_gather(v, labels, num_segments):
    # Row-normalized (adj + I) where adj connects all same-label pairs is exactly the
    # per-class mean (including self). spmm(adj_norm, v)[i] = mean_{j: lab[j]==lab[i]} v[j].
    sums = jax.ops.segment_sum(v, labels, num_segments=num_segments)
    counts = jax.ops.segment_sum(jnp.ones((v.shape[0],), v.dtype), labels,
                                 num_segments=num_segments)
    means = sums / jnp.maximum(counts, 1.0)[:, None]
    return jnp.take(means, labels, axis=0)


def reference(graph_input_raw, graph_label, W1, b1, W2, b2):
    def per_graph(x, lab):
        # gc1: support = x @ W1; output = spmm(adj_norm, support) + b1
        s1 = x @ W1
        h = jax.nn.relu(_seg_mean_gather(s1, lab, C) + b1)
        # dropout with p=0.5 is identity in eval mode
        # gc2
        s2 = h @ W2
        h2 = _seg_mean_gather(s2, lab, C) + b2
        return x + h2  # residual
    return jax.vmap(per_graph)(graph_input_raw, graph_label)

if __name__ == "__main__":
    import jax
    _d = setup_inputs()
    print(jax.jit(kernel)(*tuple(_d.values())))

</pallas_src>

<mosaic_0001>
#map = affine_map<(d0, d1) -> (0)>
#map1 = affine_map<(d0, d1) -> (0, 0, 0)>
module attributes {stable_mosaic.version = 14 : i64} {
  func.func @_segsum(%arg0: i32, %arg1: i32, %arg2: memref<2097152xf32, #tpu.memory_space<hbm>>, %arg3: memref<32768xi32, #tpu.memory_space<hbm>>, %arg4: memref<8x4x4096xf32, #tpu.memory_space<hbm>>, %arg5: memref<65536xf32, #tpu.memory_space<vmem>>, %arg6: memref<1024xi32, #tpu.memory_space<vmem>>, %arg7: memref<4096xf32, #tpu.memory_space<vmem>>) attributes {dimension_semantics = [#tpu.dimension_semantics<core_parallel>, #tpu.dimension_semantics<subcore_parallel>], iteration_bounds = array<i64: 2, 16>, scalar_prefetch = 0 : i64, scratch_operands = 3 : i64, tpu.core_type = #tpu.core_type<sc_vector_subcore>, window_params = [{transform_indices = #map}, {transform_indices = #map}, {transform_indices = #map1}]} {
    %mul3A = arith.constant 2 : i32
    %mul3A_0 = arith.muli %arg1, %mul3A : i32
    %add3A = arith.addi %mul3A_0, %arg0 : i32
    %jit3A = arith.constant 4 : i32
    %div3A = arith.divsi %add3A, %jit3A : i32
    %sign3A = arith.constant 0 : i32
    %sign3A_1 = arith.cmpi sgt, %add3A, %sign3A : i32
    %sign3A_2 = arith.extui %sign3A_1 : i1 to i32
    %sign3A_3 = arith.constant 0 : i32
    %sign3A_4 = arith.cmpi slt, %add3A, %sign3A_3 : i32
    %sign3A_5 = arith.extui %sign3A_4 : i1 to i32
    %sign3A_6 = arith.subi %sign3A_2, %sign3A_5 : i32
    %sign3A_7 = arith.constant 0 : i32
    %sign3A_8 = arith.cmpi sgt, %jit3A, %sign3A_7 : i32
    %sign3A_9 = arith.extui %sign3A_8 : i1 to i32
    %sign3A_10 = arith.constant 0 : i32
    %sign3A_11 = arith.cmpi slt, %jit3A, %sign3A_10 : i32
    %sign3A_12 = arith.extui %sign3A_11 : i1 to i32
    %sign3A_13 = arith.subi %sign3A_9, %sign3A_12 : i32
    %ne3A = arith.cmpi ne, %sign3A_6, %sign3A_13 : i32
    %rem3A = arith.remsi %add3A, %jit3A : i32
    %ne3A_14 = arith.constant 0 : i32
    %ne3A_15 = arith.cmpi ne, %rem3A, %ne3A_14 : i32
    %and3A = arith.andi %ne3A, %ne3A_15 : i1
    %sub3A = arith.constant 1 : i32
    %sub3A_16 = arith.subi %div3A, %sub3A : i32
    %select_n3A = arith.select %and3A, %sub3A_16, %div3A : i32
    %jit3A_17 = arith.constant 4 : i32
    %eq3A = arith.constant 0 : i32
    %eq3A_18 = arith.cmpi eq, %jit3A_17, %eq3A : i32
    %jit3A_19 = arith.constant 1 : i32
    %select_n3A_20 = arith.select %eq3A_18, %jit3A_19, %jit3A_17 : i32
    %rem3A_21 = arith.remsi %add3A, %select_n3A_20 : i32
    %ne3A_22 = arith.constant 0 : i32
    %ne3A_23 = arith.cmpi ne, %rem3A_21, %ne3A_22 : i32
    %lt3A = arith.constant 0 : i32
    %lt3A_24 = arith.cmpi slt, %rem3A_21, %lt3A : i32
    %lt3A_25 = arith.constant 0 : i32
    %lt3A_26 = arith.cmpi slt, %select_n3A_20, %lt3A_25 : i32
    %ne3A_27 = arith.xori %lt3A_24, %lt3A_26 : i1
    %and3A_28 = arith.andi %ne3A_27, %ne3A_23 : i1
    %add3A_29 = arith.addi %rem3A_21, %select_n3A_20 : i32
    %select_n3A_30 = arith.select %and3A_28, %add3A_29, %rem3A_21 : i32
    %mul3A_31 = arith.constant 1024 : i32
    %mul3A_32 = arith.muli %add3A, %mul3A_31 : i32
    %mul3A_33 = arith.constant 64 : i32
    %mul3A_34 = arith.muli %mul3A_32, %mul3A_33 : i32
    "tpu.region"() ({
      %run_scoped3A = tpu.sem_alloc : memref<!tpu.dma_semaphore, #tpu.memory_space<semaphore_mem>>
      %dma_start3A = tpu.memref_slice %arg2[%mul3A_34] : memref<2097152xf32, #tpu.memory_space<hbm>> -> memref<65536xf32, #tpu.memory_space<hbm>>
      %dma_start3A_43 = tpu.memref_slice %arg2[%mul3A_34] : memref<2097152xf32, #tpu.memory_space<hbm>> -> memref<65536xf32, #tpu.memory_space<hbm>>
      tpu.enqueue_dma source(%dma_start3A_43 : memref<65536xf32, #tpu.memory_space<hbm>>) target(%arg5 : memref<65536xf32, #tpu.memory_space<vmem>>) target_semaphore(%run_scoped3A : memref<!tpu.dma_semaphore, #tpu.memory_space<semaphore_mem>>)
      %dma_wait3A = tpu.memref_slice %arg2[%mul3A_34] : memref<2097152xf32, #tpu.memory_space<hbm>> -> memref<65536xf32, #tpu.memory_space<hbm>>
      %dma_wait3A_44 = tpu.memref_slice %arg2[%mul3A_34] : memref<2097152xf32, #tpu.memory_space<hbm>> -> memref<65536xf32, #tpu.memory_space<hbm>>
      tpu.wait_dma2 semaphore(%run_scoped3A : memref<!tpu.dma_semaphore, #tpu.memory_space<semaphore_mem>>) src(%dma_wait3A_44 : memref<65536xf32, #tpu.memory_space<hbm>>) dst(%arg5 : memref<65536xf32, #tpu.memory_space<vmem>>)
      tpu.yield
    }) : () -> ()
    "tpu.region"() ({
      %run_scoped3A = tpu.sem_alloc : memref<!tpu.dma_semaphore, #tpu.memory_space<semaphore_mem>>
      %dma_start3A = tpu.memref_slice %arg3[%mul3A_32] : memref<32768xi32, #tpu.memory_space<hbm>> -> memref<1024xi32, #tpu.memory_space<hbm>>
      %dma_start3A_43 = tpu.memref_slice %arg3[%mul3A_32] : memref<32768xi32, #tpu.memory_space<hbm>> -> memref<1024xi32, #tpu.memory_space<hbm>>
      tpu.enqueue_dma source(%dma_start3A_43 : memref<1024xi32, #tpu.memory_space<hbm>>) target(%arg6 : memref<1024xi32, #tpu.memory_space<vmem>>) target_semaphore(%run_scoped3A : memref<!tpu.dma_semaphore, #tpu.memory_space<semaphore_mem>>)
      %dma_wait3A = tpu.memref_slice %arg3[%mul3A_32] : memref<32768xi32, #tpu.memory_space<hbm>> -> memref<1024xi32, #tpu.memory_space<hbm>>
      %dma_wait3A_44 = tpu.memref_slice %arg3[%mul3A_32] : memref<32768xi32, #tpu.memory_space<hbm>> -> memref<1024xi32, #tpu.memory_space<hbm>>
      tpu.wait_dma2 semaphore(%run_scoped3A : memref<!tpu.dma_semaphore, #tpu.memory_space<semaphore_mem>>) src(%dma_wait3A_44 : memref<1024xi32, #tpu.memory_space<hbm>>) dst(%arg6 : memref<1024xi32, #tpu.memory_space<vmem>>)
      tpu.yield
    }) : () -> ()
    %broadcast_in_dim3A = arith.constant 0.000000e+00 : f32
    %broadcast_in_dim3A_35 = vector.broadcast %broadcast_in_dim3A : f32 to vector<16xf32>
    %scan3A = arith.constant 0 : i32
    %scan3A_36 = arith.constant 0 : i32
    %scan3A_37 = arith.constant 256 : i32
    %scan3A_38 = arith.addi %scan3A_36, %scan3A_37 : i32
    %scan3A_39 = arith.constant 1 : i32
    scf.for %scan3A_43 = %scan3A_36 to %scan3A_38 step %scan3A_39  : i32 {
      %mul3A_44 = arith.constant 16 : i32
      %mul3A_45 = arith.muli %scan3A_43, %mul3A_44 : i32
      %swap3A = arith.index_cast %mul3A_45 : i32 to index
      %swap3A_46 = tpu.vector_load %arg7[%swap3A] {strides = array<i32>} : memref<4096xf32, #tpu.memory_space<vmem>>, vector<16xf32>,
      tpu.vector_store %arg7[%swap3A], %broadcast_in_dim3A_35 {strides = array<i32>} : memref<4096xf32, #tpu.memory_space<vmem>>, vector<16xf32>,
    }
    %scan3A_40 = arith.constant 256 : i32
    %iota3A = tpu.iota {dimensions = array<i32: 0>} : vector<16xi32>
    %parallel_loop3A = arith.constant 0 : i32
    %parallel_loop3A_41 = arith.constant 1024 : i32
    %parallel_loop3A_42 = arith.constant 1 : i32
    scf.for %parallel_loop3A_43 = %parallel_loop3A to %parallel_loop3A_41 step %parallel_loop3A_42  : i32 {
      %parallel_loop3A_44 = vector.broadcast %parallel_loop3A_43 : i32 to vector<16xi32>
      %parallel_loop3A_45 = tpu.vector_load_idx %arg6[%parallel_loop3A_44] : memref<1024xi32, #tpu.memory_space<vmem>>[vector<16xi32>], vector<16xi32>,
      %parallel_loop3A_46 = arith.constant 64 : i32
      %parallel_loop3A_47 = vector.broadcast %parallel_loop3A_46 : i32 to vector<16xi32>
      %parallel_loop3A_48 = arith.muli %parallel_loop3A_45, %parallel_loop3A_47 : vector<16xi32>
      %parallel_loop3A_49 = arith.addi %parallel_loop3A_48, %iota3A : vector<16xi32>
      %parallel_loop3A_50 = arith.constant 64 : i32
      %parallel_loop3A_51 = arith.muli %parallel_loop3A_43, %parallel_loop3A_50 : i32
      %parallel_loop3A_52 = arith.constant 0 : i32
      %parallel_loop3A_53 = arith.addi %parallel_loop3A_51, %parallel_loop3A_52 : i32
      %parallel_loop3A_54 = arith.index_cast %parallel_loop3A_53 : i32 to index
      %parallel_loop3A_55 = tpu.vector_load %arg5[%parallel_loop3A_54] {strides = array<i32>} : memref<65536xf32, #tpu.memory_space<vmem>>, vector<16xf32>,
      %parallel_loop3A_56 = arith.constant 0 : i32
      %parallel_loop3A_57 = vector.broadcast %parallel_loop3A_56 : i32 to vector<16xi32>
      %parallel_loop3A_58 = arith.addi %parallel_loop3A_49, %parallel_loop3A_57 : vector<16xi32>
      tpu.vector_store_idx %arg7[%parallel_loop3A_58], %parallel_loop3A_55 {add = true} : memref<4096xf32, #tpu.memory_space<vmem>>[vector<16xi32>], vector<16xf32>,
      %parallel_loop3A_59 = arith.constant 64 : i32
      %parallel_loop3A_60 = arith.muli %parallel_loop3A_43, %parallel_loop3A_59 : i32
      %parallel_loop3A_61 = arith.constant 16 : i32
      %parallel_loop3A_62 = arith.addi %parallel_loop3A_60, %parallel_loop3A_61 : i32
      %parallel_loop3A_63 = arith.index_cast %parallel_loop3A_62 : i32 to index
      %parallel_loop3A_64 = tpu.vector_load %arg5[%parallel_loop3A_63] {strides = array<i32>} : memref<65536xf32, #tpu.memory_space<vmem>>, vector<16xf32>,
      %parallel_loop3A_65 = arith.constant 16 : i32
      %parallel_loop3A_66 = vector.broadcast %parallel_loop3A_65 : i32 to vector<16xi32>
      %parallel_loop3A_67 = arith.addi %parallel_loop3A_49, %parallel_loop3A_66 : vector<16xi32>
      tpu.vector_store_idx %arg7[%parallel_loop3A_67], %parallel_loop3A_64 {add = true} : memref<4096xf32, #tpu.memory_space<vmem>>[vector<16xi32>], vector<16xf32>,
      %parallel_loop3A_68 = arith.constant 64 : i32
      %parallel_loop3A_69 = arith.muli %parallel_loop3A_43, %parallel_loop3A_68 : i32
      %parallel_loop3A_70 = arith.constant 32 : i32
      %parallel_loop3A_71 = arith.addi %parallel_loop3A_69, %parallel_loop3A_70 : i32
      %parallel_loop3A_72 = arith.index_cast %parallel_loop3A_71 : i32 to index
      %parallel_loop3A_73 = tpu.vector_load %arg5[%parallel_loop3A_72] {strides = array<i32>} : memref<65536xf32, #tpu.memory_space<vmem>>, vector<16xf32>,
      %parallel_loop3A_74 = arith.constant 32 : i32
      %parallel_loop3A_75 = vector.broadcast %parallel_loop3A_74 : i32 to vector<16xi32>
      %parallel_loop3A_76 = arith.addi %parallel_loop3A_49, %parallel_loop3A_75 : vector<16xi32>
      tpu.vector_store_idx %arg7[%parallel_loop3A_76], %parallel_loop3A_73 {add = true} : memref<4096xf32, #tpu.memory_space<vmem>>[vector<16xi32>], vector<16xf32>,
      %parallel_loop3A_77 = arith.constant 64 : i32
      %parallel_loop3A_78 = arith.muli %parallel_loop3A_43, %parallel_loop3A_77 : i32
      %parallel_loop3A_79 = arith.constant 48 : i32
      %parallel_loop3A_80 = arith.addi %parallel_loop3A_78, %parallel_loop3A_79 : i32
      %parallel_loop3A_81 = arith.index_cast %parallel_loop3A_80 : i32 to index
      %parallel_loop3A_82 = tpu.vector_load %arg5[%parallel_loop3A_81] {strides = array<i32>} : memref<65536xf32, #tpu.memory_space<vmem>>, vector<16xf32>,
      %parallel_loop3A_83 = arith.constant 48 : i32
      %parallel_loop3A_84 = vector.broadcast %parallel_loop3A_83 : i32 to vector<16xi32>
      %parallel_loop3A_85 = arith.addi %parallel_loop3A_49, %parallel_loop3A_84 : vector<16xi32>
      tpu.vector_store_idx %arg7[%parallel_loop3A_85], %parallel_loop3A_82 {add = true} : memref<4096xf32, #tpu.memory_space<vmem>>[vector<16xi32>], vector<16xf32>,
    } {sc.loop_unroll_factor = 16 : i64, sc.parallel_access}
    "tpu.region"() ({
      %run_scoped3A = tpu.sem_alloc : memref<!tpu.dma_semaphore, #tpu.memory_space<semaphore_mem>>
      %dma_start3A = arith.constant 0 : i32
      %dma_start3A_43 = tpu.memref_slice %arg4[%select_n3A, %select_n3A_30, %dma_start3A] : memref<8x4x4096xf32, #tpu.memory_space<hbm>> -> memref<1x1x4096xf32, #tpu.memory_space<hbm>>
      %dma_start3A_44 = tpu.memref_squeeze %dma_start3A_43 : memref<1x1x4096xf32, #tpu.memory_space<hbm>> -> memref<4096xf32, #tpu.memory_space<hbm>>
      %dma_start3A_45 = arith.constant 0 : i32
      %dma_start3A_46 = tpu.memref_slice %arg4[%select_n3A, %select_n3A_30, %dma_start3A_45] : memref<8x4x4096xf32, #tpu.memory_space<hbm>> -> memref<1x1x4096xf32, #tpu.memory_space<hbm>>
      %dma_start3A_47 = tpu.memref_squeeze %dma_start3A_46 : memref<1x1x4096xf32, #tpu.memory_space<hbm>> -> memref<4096xf32, #tpu.memory_space<hbm>>
      tpu.enqueue_dma source(%arg7 : memref<4096xf32, #tpu.memory_space<vmem>>) target(%dma_start3A_47 : memref<4096xf32, #tpu.memory_space<hbm>>) target_semaphore(%run_scoped3A : memref<!tpu.dma_semaphore, #tpu.memory_space<semaphore_mem>>)
      %dma_wait3A = arith.constant 0 : i32
      %dma_wait3A_48 = tpu.memref_slice %arg4[%select_n3A, %select_n3A_30, %dma_wait3A] : memref<8x4x4096xf32, #tpu.memory_space<hbm>> -> memref<1x1x4096xf32, #tpu.memory_space<hbm>>
      %dma_wait3A_49 = tpu.memref_squeeze %dma_wait3A_48 : memref<1x1x4096xf32, #tpu.memory_space<hbm>> -> memref<4096xf32, #tpu.memory_space<hbm>>
      %dma_wait3A_50 = arith.constant 0 : i32
      %dma_wait3A_51 = tpu.memref_slice %arg4[%select_n3A, %select_n3A_30, %dma_wait3A_50] : memref<8x4x4096xf32, #tpu.memory_space<hbm>> -> memref<1x1x4096xf32, #tpu.memory_space<hbm>>
      %dma_wait3A_52 = tpu.memref_squeeze %dma_wait3A_51 : memref<1x1x4096xf32, #tpu.memory_space<hbm>> -> memref<4096xf32, #tpu.memory_space<hbm>>
      tpu.wait_dma2 semaphore(%run_scoped3A : memref<!tpu.dma_semaphore, #tpu.memory_space<semaphore_mem>>) src(%arg7 : memref<4096xf32, #tpu.memory_space<vmem>>) dst(%dma_wait3A_52 : memref<4096xf32, #tpu.memory_space<hbm>>)
      tpu.yield
    }) : () -> ()
    return
  }
}

module attributes {stable_mosaic.version = 14 : i64} {
  func.func @_tc_tail_body(%arg0: i32, %arg1: memref<8x4x64x64xf32, #tpu.memory_space<vmem>>, %arg2: memref<8x1x4096xi32, #tpu.memory_space<vmem>>, %arg3: memref<64x256xf32, #tpu.memory_space<vmem>>, %arg4: memref<1x256xf32, #tpu.memory_space<vmem>>, %arg5: memref<256x64xf32, #tpu.memory_space<vmem>>, %arg6: memref<1x64xf32, #tpu.memory_space<vmem>>, %arg7: memref<8x4096x64xf32, #tpu.memory_space<vmem>>, %arg8: memref<8x4096x64xf32, #tpu.memory_space<vmem>>) attributes {dimension_semantics = [#tpu.dimension_semantics<parallel>], iteration_bounds = array<i64: 1>, scalar_prefetch = 0 : i64, scratch_operands = 0 : i64, tpu.core_type = #tpu.core_type<tc>, window_params = [{transform_indices = @transform_0, window_bounds = array<i64: 8, 4, 64, 64>}, {transform_indices = @transform_1, window_bounds = array<i64: 8, 1, 4096>}, {pipeline_mode = #tpu.pipeline_mode<synchronous>, transform_indices = @transform_2, window_bounds = array<i64: 64, 256>}, {pipeline_mode = #tpu.pipeline_mode<synchronous>, transform_indices = @transform_3, window_bounds = array<i64: 1, 256>}, {pipeline_mode = #tpu.pipeline_mode<synchronous>, transform_indices = @transform_4, window_bounds = array<i64: 256, 64>}, {pipeline_mode = #tpu.pipeline_mode<synchronous>, transform_indices = @transform_5, window_bounds = array<i64: 1, 64>}, {transform_indices = @transform_6, window_bounds = array<i64: 8, 4096, 64>}, {transform_indices = @transform_7, window_bounds = array<i64: 8, 4096, 64>}]} {
    %get3A = arith.constant 0 : index
    %get3A_0 = arith.constant 0 : index
    %get3A_1 = arith.constant 0 : index
    %get3A_2 = arith.constant 0 : index
    %get3A_3 = vector.load %arg1[%get3A, %get3A_0, %get3A_1, %get3A_2] : memref<8x4x64x64xf32, #tpu.memory_space<vmem>>, vector<1x4x64x64xf32>
    %get3A_4 = vector.shape_cast %get3A_3 : vector<1x4x64x64xf32> to vector<4x64x64xf32>
    %reduce_sum3A = arith.constant dense<0.000000e+00> : vector<64x64xf32>
    %reduce_sum3A_5 = vector.multi_reduction <add>, %get3A_4, %reduce_sum3A [0] : vector<4x64x64xf32> to vector<64x64xf32>
    %get3A_6 = arith.constant 0 : index
    %get3A_7 = arith.constant 0 : index
    %get3A_8 = arith.constant 0 : index
    %get3A_9 = vector.load %arg2[%get3A_6, %get3A_7, %get3A_8] : memref<8x1x4096xi32, #tpu.memory_space<vmem>>, vector<1x1x4096xi32>
    %get3A_10 = vector.shape_cast %get3A_9 : vector<1x1x4096xi32> to vector<4096xi32>
    %broadcast_in_dim3A = vector.shape_cast %get3A_10 : vector<4096xi32> to vector<4096x1xi32>
    %iota3A = tpu.iota {dimensions = array<i32: 1>} : vector<4096x64xi32>
    %eq3A = vector.broadcast %broadcast_in_dim3A : vector<4096x1xi32> to vector<4096x64xi32>
    %eq3A_11 = arith.cmpi eq, %eq3A, %iota3A : vector<4096x64xi32>
    %convert_element_type3A = arith.extui %eq3A_11 : vector<4096x64xi1> to vector<4096x64xi32>
    %convert_element_type3A_12 = arith.sitofp %convert_element_type3A : vector<4096x64xi32> to vector<4096x64xf32>
    %reduce_sum3A_13 = arith.constant dense<0.000000e+00> : vector<64xf32>
    %reduce_sum3A_14 = vector.multi_reduction <add>, %convert_element_type3A_12, %reduce_sum3A_13 [0] : vector<4096x64xf32> to vector<64xf32>
    %max3A = arith.constant 1.000000e+00 : f32
    %max3A_15 = vector.broadcast %max3A : f32 to vector<64xf32>
    %max3A_16 = arith.maximumf %reduce_sum3A_14, %max3A_15 : vector<64xf32>
    %broadcast_in_dim3A_17 = vector.shape_cast %max3A_16 : vector<64xf32> to vector<64x1xf32>
    %div3A = vector.broadcast %broadcast_in_dim3A_17 : vector<64x1xf32> to vector<64x64xf32>
    %div3A_18 = arith.divf %reduce_sum3A_5, %div3A : vector<64x64xf32>
    %get3A_19 = arith.constant 0 : index
    %get3A_20 = arith.constant 0 : index
    %get3A_21 = vector.load %arg3[%get3A_19, %get3A_20] : memref<64x256xf32, #tpu.memory_space<vmem>>, vector<64x256xf32>
    %dot_general3A = arith.constant dense<0.000000e+00> : vector<64x256xf32>
    %dot_general3A_22 = tpu.matmul %div3A_18, %get3A_21, %dot_general3A {dimension_numbers = #tpu.dot_dimension_numbers<[1], [0], [0], [1], [0, 0, 1, 1], [], []>, transpose_lhs_hint = false} : vector<64x64xf32>, vector<64x256xf32>, vector<64x256xf32> -> vector<64x256xf32>
    %get3A_23 = arith.constant 0 : index
    %get3A_24 = arith.constant 0 : index
    %get3A_25 = vector.load %arg4[%get3A_23, %get3A_24] : memref<1x256xf32, #tpu.memory_space<vmem>>, vector<1x256xf32>
    %get3A_26 = vector.shape_cast %get3A_25 : vector<1x256xf32> to vector<256xf32>
    %broadcast_in_dim3A_27 = vector.shape_cast %get3A_26 : vector<256xf32> to vector<1x256xf32>
    %add3A = vector.broadcast %broadcast_in_dim3A_27 : vector<1x256xf32> to vector<64x256xf32>
    %add3A_28 = arith.addf %dot_general3A_22, %add3A : vector<64x256xf32>
    %max3A_29 = arith.constant 0.000000e+00 : f32
    %max3A_30 = vector.broadcast %max3A_29 : f32 to vector<64x256xf32>
    %max3A_31 = arith.maximumf %add3A_28, %max3A_30 : vector<64x256xf32>
    %get3A_32 = arith.constant 0 : index
    %get3A_33 = arith.constant 0 : index
    %get3A_34 = vector.load %arg5[%get3A_32, %get3A_33] : memref<256x64xf32, #tpu.memory_space<vmem>>, vector<256x64xf32>
    %dot_general3A_35 = arith.constant dense<0.000000e+00> : vector<64x64xf32>
    %dot_general3A_36 = tpu.matmul %max3A_31, %get3A_34, %dot_general3A_35 {dimension_numbers = #tpu.dot_dimension_numbers<[1], [0], [0], [1], [0, 0, 1, 1], [], []>, transpose_lhs_hint = false} : vector<64x256xf32>, vector<256x64xf32>, vector<64x64xf32> -> vector<64x64xf32>
    %get3A_37 = arith.constant 0 : index
    %get3A_38 = arith.constant 0 : index
    %get3A_39 = vector.load %arg6[%get3A_37, %get3A_38] : memref<1x64xf32, #tpu.memory_space<vmem>>, vector<1x64xf32>
    %get3A_40 = vector.shape_cast %get3A_39 : vector<1x64xf32> to vector<64xf32>
    %broadcast_in_dim3A_41 = vector.shape_cast %get3A_40 : vector<64xf32> to vector<1x64xf32>
    %add3A_42 = vector.broadcast %broadcast_in_dim3A_41 : vector<1x64xf32> to vector<64x64xf32>
    %add3A_43 = arith.addf %dot_general3A_36, %add3A_42 : vector<64x64xf32>
    %get3A_44 = arith.constant 0 : index
    %get3A_45 = arith.constant 0 : index
    %get3A_46 = arith.constant 0 : index
    %get3A_47 = vector.load %arg7[%get3A_44, %get3A_45, %get3A_46] : memref<8x4096x64xf32, #tpu.memory_space<vmem>>, vector<1x4096x64xf32>
    %get3A_48 = vector.shape_cast %get3A_47 : vector<1x4096x64xf32> to vector<4096x64xf32>
    %dot_general3A_49 = arith.constant dense<0.000000e+00> : vector<4096x64xf32>
    %dot_general3A_50 = tpu.matmul %convert_element_type3A_12, %add3A_43, %dot_general3A_49 {dimension_numbers = #tpu.dot_dimension_numbers<[1], [0], [0], [1], [0, 0, 1, 1], [], []>, transpose_lhs_hint = false} : vector<4096x64xf32>, vector<64x64xf32>, vector<4096x64xf32> -> vector<4096x64xf32>
    %add3A_51 = arith.addf %get3A_48, %dot_general3A_50 : vector<4096x64xf32>
    %swap3A = arith.constant 0 : index
    %swap3A_52 = arith.constant 0 : index
    %swap3A_53 = arith.constant 0 : index
    %swap3A_54 = vector.load %arg8[%swap3A, %swap3A_52, %swap3A_53] : memref<8x4096x64xf32, #tpu.memory_space<vmem>>, vector<1x4096x64xf32>
    %swap3A_55 = vector.shape_cast %swap3A_54 : vector<1x4096x64xf32> to vector<4096x64xf32>
    %swap3A_56 = vector.shape_cast %add3A_51 : vector<4096x64xf32> to vector<1x4096x64xf32>
    tpu.vector_store %arg8[%swap3A, %swap3A_52, %swap3A_53], %swap3A_56 {strides = array<i32>} : memref<8x4096x64xf32, #tpu.memory_space<vmem>>, vector<1x4096x64xf32>,
    %get3A_57 = arith.constant 1 : index
    %get3A_58 = arith.constant 0 : index
    %get3A_59 = arith.constant 0 : index
    %get3A_60 = arith.constant 0 : index
    %get3A_61 = vector.load %arg1[%get3A_57, %get3A_58, %get3A_59, %get3A_60] : memref<8x4x64x64xf32, #tpu.memory_space<vmem>>, vector<1x4x64x64xf32>
    %get3A_62 = vector.shape_cast %get3A_61 : vector<1x4x64x64xf32> to vector<4x64x64xf32>
    %reduce_sum3A_63 = arith.constant dense<0.000000e+00> : vector<64x64xf32>
    %reduce_sum3A_64 = vector.multi_reduction <add>, %get3A_62, %reduce_sum3A_63 [0] : vector<4x64x64xf32> to vector<64x64xf32>
    %get3A_65 = arith.constant 1 : index
    %get3A_66 = arith.constant 0 : index
    %get3A_67 = arith.constant 0 : index
    %get3A_68 = vector.load %arg2[%get3A_65, %get3A_66, %get3A_67] : memref<8x1x4096xi32, #tpu.memory_space<vmem>>, vector<1x1x4096xi32>
    %get3A_69 = vector.shape_cast %get3A_68 : vector<1x1x4096xi32> to vector<4096xi32>
    %broadcast_in_dim3A_70 = vector.shape_cast %get3A_69 : vector<4096xi32> to vector<4096x1xi32>
    %iota3A_71 = tpu.iota {dimensions = array<i32: 1>} : vector<4096x64xi32>
    %eq3A_72 = vector.broadcast %broadcast_in_dim3A_70 : vector<4096x1xi32> to vector<4096x64xi32>
    %eq3A_73 = arith.cmpi eq, %eq3A_72, %iota3A_71 : vector<4096x64xi32>
    %convert_element_type3A_74 = arith.extui %eq3A_73 : vector<4096x64xi1> to vector<4096x64xi32>
    %convert_element_type3A_75 = arith.sitofp %convert_element_type3A_74 : vector<4096x64xi32> to vector<4096x64xf32>
    %reduce_sum3A_76 = arith.constant dense<0.000000e+00> : vector<64xf32>
    %reduce_sum3A_77 = vector.multi_reduction <add>, %convert_element_type3A_75, %reduce_sum3A_76 [0] : vector<4096x64xf32> to vector<64xf32>
    %max3A_78 = arith.constant 1.000000e+00 : f32
    %max3A_79 = vector.broadcast %max3A_78 : f32 to vector<64xf32>
    %max3A_80 = arith.maximumf %reduce_sum3A_77, %max3A_79 : vector<64xf32>
    %broadcast_in_dim3A_81 = vector.shape_cast %max3A_80 : vector<64xf32> to vector<64x1xf32>
    %div3A_82 = vector.broadcast %broadcast_in_dim3A_81 : vector<64x1xf32> to vector<64x64xf32>
    %div3A_83 = arith.divf %reduce_sum3A_64, %div3A_82 : vector<64x64xf32>
    %get3A_84 = arith.constant 0 : index
    %get3A_85 = arith.constant 0 : index
    %get3A_86 = vector.load %arg3[%get3A_84, %get3A_85] : memref<64x256xf32, #tpu.memory_space<vmem>>, vector<64x256xf32>
    %dot_general3A_87 = arith.constant dense<0.000000e+00> : vector<64x256xf32>
    %dot_general3A_88 = tpu.matmul %div3A_83, %get3A_86, %dot_general3A_87 {dimension_numbers = #tpu.dot_dimension_numbers<[1], [0], [0], [1], [0, 0, 1, 1], [], []>, transpose_lhs_hint = false} : vector<64x64xf32>, vector<64x256xf32>, vector<64x256xf32> -> vector<64x256xf32>
    %get3A_89 = arith.constant 0 : index
    %get3A_90 = arith.constant 0 : index
    %get3A_91 = vector.load %arg4[%get3A_89, %get3A_90] : memref<1x256xf32, #tpu.memory_space<vmem>>, vector<1x256xf32>
    %get3A_92 = vector.shape_cast %get3A_91 : vector<1x256xf32> to vector<256xf32>
    %broadcast_in_dim3A_93 = vector.shape_cast %get3A_92 : vector<256xf32> to vector<1x256xf32>
    %add3A_94 = vector.broadcast %broadcast_in_dim3A_93 : vector<1x256xf32> to vector<64x256xf32>
    %add3A_95 = arith.addf %dot_general3A_88, %add3A_94 : vector<64x256xf32>
    %max3A_96 = arith.constant 0.000000e+00 : f32
    %max3A_97 = vector.broadcast %max3A_96 : f32 to vector<64x256xf32>
    %max3A_98 = arith.maximumf %add3A_95, %max3A_97 : vector<64x256xf32>
    %get3A_99 = arith.constant 0 : index
    %get3A_100 = arith.constant 0 : index
    %get3A_101 = vector.load %arg5[%get3A_99, %get3A_100] : memref<256x64xf32, #tpu.memory_space<vmem>>, vector<256x64xf32>
    %dot_general3A_102 = arith.constant dense<0.000000e+00> : vector<64x64xf32>
    %dot_general3A_103 = tpu.matmul %max3A_98, %get3A_101, %dot_general3A_102 {dimension_numbers = #tpu.dot_dimension_numbers<[1], [0], [0], [1], [0, 0, 1, 1], [], []>, transpose_lhs_hint = false} : vector<64x256xf32>, vector<256x64xf32>, vector<64x64xf32> -> vector<64x64xf32>
    %get3A_104 = arith.constant 0 : index
    %get3A_105 = arith.constant 0 : index
    %get3A_106 = vector.load %arg6[%get3A_104, %get3A_105] : memref<1x64xf32, #tpu.memory_space<vmem>>, vector<1x64xf32>
    %get3A_107 = vector.shape_cast %get3A_106 : vector<1x64xf32> to vector<64xf32>
    %broadcast_in_dim3A_108 = vector.shape_cast %get3A_107 : vector<64xf32> to vector<1x64xf32>
    %add3A_109 = vector.broadcast %broadcast_in_dim3A_108 : vector<1x64xf32> to vector<64x64xf32>
    %add3A_110 = arith.addf %dot_general3A_103, %add3A_109 : vector<64x64xf32>
    %get3A_111 = arith.constant 1 : index
    %get3A_112 = arith.constant 0 : index
    %get3A_113 = arith.constant 0 : index
    %get3A_114 = vector.load %arg7[%get3A_111, %get3A_112, %get3A_113] : memref<8x4096x64xf32, #tpu.memory_space<vmem>>, vector<1x4096x64xf32>
    %get3A_115 = vector.shape_cast %get3A_114 : vector<1x4096x64xf32> to vector<4096x64xf32>
    %dot_general3A_116 = arith.constant dense<0.000000e+00> : vector<4096x64xf32>
    %dot_general3A_117 = tpu.matmul %convert_element_type3A_75, %add3A_110, %dot_general3A_116 {dimension_numbers = #tpu.dot_dimension_numbers<[1], [0], [0], [1], [0, 0, 1, 1], [], []>, transpose_lhs_hint = false} : vector<4096x64xf32>, vector<64x64xf32>, vector<4096x64xf32> -> vector<4096x64xf32>
    %add3A_118 = arith.addf %get3A_115, %dot_general3A_117 : vector<4096x64xf32>
    %swap3A_119 = arith.constant 1 : index
    %swap3A_120 = arith.constant 0 : index
    %swap3A_121 = arith.constant 0 : index
    %swap3A_122 = vector.load %arg8[%swap3A_119, %swap3A_120, %swap3A_121] : memref<8x4096x64xf32, #tpu.memory_space<vmem>>, vector<1x4096x64xf32>
    %swap3A_123 = vector.shape_cast %swap3A_122 : vector<1x4096x64xf32> to vector<4096x64xf32>
    %swap3A_124 = vector.shape_cast %add3A_118 : vector<4096x64xf32> to vector<1x4096x64xf32>
    tpu.vector_store %arg8[%swap3A_119, %swap3A_120, %swap3A_121], %swap3A_124 {strides = array<i32>} : memref<8x4096x64xf32, #tpu.memory_space<vmem>>, vector<1x4096x64xf32>,
    %get3A_125 = arith.constant 2 : index
    %get3A_126 = arith.constant 0 : index
    %get3A_127 = arith.constant 0 : index
    %get3A_128 = arith.constant 0 : index
    %get3A_129 = vector.load %arg1[%get3A_125, %get3A_126, %get3A_127, %get3A_128] : memref<8x4x64x64xf32, #tpu.memory_space<vmem>>, vector<1x4x64x64xf32>
    %get3A_130 = vector.shape_cast %get3A_129 : vector<1x4x64x64xf32> to vector<4x64x64xf32>
    %reduce_sum3A_131 = arith.constant dense<0.000000e+00> : vector<64x64xf32>
    %reduce_sum3A_132 = vector.multi_reduction <add>, %get3A_130, %reduce_sum3A_131 [0] : vector<4x64x64xf32> to vector<64x64xf32>
    %get3A_133 = arith.constant 2 : index
    %get3A_134 = arith.constant 0 : index
    %get3A_135 = arith.constant 0 : index
    %get3A_136 = vector.load %arg2[%get3A_133, %get3A_134, %get3A_135] : memref<8x1x4096xi32, #tpu.memory_space<vmem>>, vector<1x1x4096xi32>
    %get3A_137 = vector.shape_cast %get3A_136 : vector<1x1x4096xi32> to vector<4096xi32>
    %broadcast_in_dim3A_138 = vector.shape_cast %get3A_137 : vector<4096xi32> to vector<4096x1xi32>
    %iota3A_139 = tpu.iota {dimensions = array<i32: 1>} : vector<4096x64xi32>
    %eq3A_140 = vector.broadcast %broadcast_in_dim3A_138 : vector<4096x1xi32> to vector<4096x64xi32>
    %eq3A_141 = arith.cmpi eq, %eq3A_140, %iota3A_139 : vector<4096x64xi32>
    %convert_element_type3A_142 = arith.extui %eq3A_141 : vector<4096x64xi1> to vector<4096x64xi32>
    %convert_element_type3A_143 = arith.sitofp %convert_element_type3A_142 : vector<4096x64xi32> to vector<4096x64xf32>
    %reduce_sum3A_144 = arith.constant dense<0.000000e+00> : vector<64xf32>
    %reduce_sum3A_145 = vector.multi_reduction <add>, %convert_element_type3A_143, %reduce_sum3A_144 [0] : vector<4096x64xf32> to vector<64xf32>
    %max3A_146 = arith.constant 1.000000e+00 : f32
    %max3A_147 = vector.broadcast %max3A_146 : f32 to vector<64xf32>
    %max3A_148 = arith.maximumf %reduce_sum3A_145, %max3A_147 : vector<64xf32>
    %broadcast_in_dim3A_149 = vector.shape_cast %max3A_148 : vector<64xf32> to vector<64x1xf32>
    %div3A_150 = vector.broadcast %broadcast_in_dim3A_149 : vector<64x1xf32> to vector<64x64xf32>
    %div3A_151 = arith.divf %reduce_sum3A_132, %div3A_150 : vector<64x64xf32>
    %get3A_152 = arith.constant 0 : index
    %get3A_153 = arith.constant 0 : index
    %get3A_154 = vector.load %arg3[%get3A_152, %get3A_153] : memref<64x256xf32, #tpu.memory_space<vmem>>, vector<64x256xf32>
    %dot_general3A_155 = arith.constant dense<0.000000e+00> : vector<64x256xf32>
    %dot_general3A_156 = tpu.matmul %div3A_151, %get3A_154, %dot_general3A_155 {dimension_numbers = #tpu.dot_dimension_numbers<[1], [0], [0], [1], [0, 0, 1, 1], [], []>, transpose_lhs_hint = false} : vector<64x64xf32>, vector<64x256xf32>, vector<64x256xf32> -> vector<64x256xf32>
    %get3A_157 = arith.constant 0 : index
    %get3A_158 = arith.constant 0 : index
    %get3A_159 = vector.load %arg4[%get3A_157, %get3A_158] : memref<1x256xf32, #tpu.memory_space<vmem>>, vector<1x256xf32>
    %get3A_160 = vector.shape_cast %get3A_159 : vector<1x256xf32> to vector<256xf32>
    %broadcast_in_dim3A_161 = vector.shape_cast %get3A_160 : vector<256xf32> to vector<1x256xf32>
    %add3A_162 = vector.broadcast %broadcast_in_dim3A_161 : vector<1x256xf32> to vector<64x256xf32>
    %add3A_163 = arith.addf %dot_general3A_156, %add3A_162 : vector<64x256xf32>
    %max3A_164 = arith.constant 0.000000e+00 : f32
    %max3A_165 = vector.broadcast %max3A_164 : f32 to vector<64x256xf32>
    %max3A_166 = arith.maximumf %add3A_163, %max3A_165 : vector<64x256xf32>
    %get3A_167 = arith.constant 0 : index
    %get3A_168 = arith.constant 0 : index
    %get3A_169 = vector.load %arg5[%get3A_167, %get3A_168] : memref<256x64xf32, #tpu.memory_space<vmem>>, vector<256x64xf32>
    %dot_general3A_170 = arith.constant dense<0.000000e+00> : vector<64x64xf32>
    %dot_general3A_171 = tpu.matmul %max3A_166, %get3A_169, %dot_general3A_170 {dimension_numbers = #tpu.dot_dimension_numbers<[1], [0], [0], [1], [0, 0, 1, 1], [], []>, transpose_lhs_hint = false} : vector<64x256xf32>, vector<256x64xf32>, vector<64x64xf32> -> vector<64x64xf32>
    %get3A_172 = arith.constant 0 : index
    %get3A_173 = arith.constant 0 : index
    %get3A_174 = vector.load %arg6[%get3A_172, %get3A_173] : memref<1x64xf32, #tpu.memory_space<vmem>>, vector<1x64xf32>
    %get3A_175 = vector.shape_cast %get3A_174 : vector<1x64xf32> to vector<64xf32>
    %broadcast_in_dim3A_176 = vector.shape_cast %get3A_175 : vector<64xf32> to vector<1x64xf32>
    %add3A_177 = vector.broadcast %broadcast_in_dim3A_176 : vector<1x64xf32> to vector<64x64xf32>
    %add3A_178 = arith.addf %dot_general3A_171, %add3A_177 : vector<64x64xf32>
    %get3A_179 = arith.constant 2 : index
    %get3A_180 = arith.constant 0 : index
    %get3A_181 = arith.constant 0 : index
    %get3A_182 = vector.load %arg7[%get3A_179, %get3A_180, %get3A_181] : memref<8x4096x64xf32, #tpu.memory_space<vmem>>, vector<1x4096x64xf32>
    %get3A_183 = vector.shape_cast %get3A_182 : vector<1x4096x64xf32> to vector<4096x64xf32>
    %dot_general3A_184 = arith.constant dense<0.000000e+00> : vector<4096x64xf32>
    %dot_general3A_185 = tpu.matmul %convert_element_type3A_143, %add3A_178, %dot_general3A_184 {dimension_numbers = #tpu.dot_dimension_numbers<[1], [0], [0], [1], [0, 0, 1, 1], [], []>, transpose_lhs_hint = false} : vector<4096x64xf32>, vector<64x64xf32>, vector<4096x64xf32> -> vector<4096x64xf32>
    %add3A_186 = arith.addf %get3A_183, %dot_general3A_185 : vector<4096x64xf32>
    %swap3A_187 = arith.constant 2 : index
    %swap3A_188 = arith.constant 0 : index
    %swap3A_189 = arith.constant 0 : index
    %swap3A_190 = vector.load %arg8[%swap3A_187, %swap3A_188, %swap3A_189] : memref<8x4096x64xf32, #tpu.memory_space<vmem>>, vector<1x4096x64xf32>
    %swap3A_191 = vector.shape_cast %swap3A_190 : vector<1x4096x64xf32> to vector<4096x64xf32>
    %swap3A_192 = vector.shape_cast %add3A_186 : vector<4096x64xf32> to vector<1x4096x64xf32>
    tpu.vector_store %arg8[%swap3A_187, %swap3A_188, %swap3A_189], %swap3A_192 {strides = array<i32>} : memref<8x4096x64xf32, #tpu.memory_space<vmem>>, vector<1x4096x64xf32>,
    %get3A_193 = arith.constant 3 : index
    %get3A_194 = arith.constant 0 : index
    %get3A_195 = arith.constant 0 : index
    %get3A_196 = arith.constant 0 : index
    %get3A_197 = vector.load %arg1[%get3A_193, %get3A_194, %get3A_195, %get3A_196] : memref<8x4x64x64xf32, #tpu.memory_space<vmem>>, vector<1x4x64x64xf32>
    %get3A_198 = vector.shape_cast %get3A_197 : vector<1x4x64x64xf32> to vector<4x64x64xf32>
    %reduce_sum3A_199 = arith.constant dense<0.000000e+00> : vector<64x64xf32>
    %reduce_sum3A_200 = vector.multi_reduction <add>, %get3A_198, %reduce_sum3A_199 [0] : vector<4x64x64xf32> to vector<64x64xf32>
    %get3A_201 = arith.constant 3 : index
    %get3A_202 = arith.constant 0 : index
    %get3A_203 = arith.constant 0 : index
    %get3A_204 = vector.load %arg2[%get3A_201, %get3A_202, %get3A_203] : memref<8x1x4096xi32, #tpu.memory_space<vmem>>, vector<1x1x4096xi32>
    %get3A_205 = vector.shape_cast %get3A_204 : vector<1x1x4096xi32> to vector<4096xi32>
    %broadcast_in_dim3A_206 = vector.shape_cast %get3A_205 : vector<4096xi32> to vector<4096x1xi32>
    %iota3A_207 = tpu.iota {dimensions = array<i32: 1>} : vector<4096x64xi32>
    %eq3A_208 = vector.broadcast %broadcast_in_dim3A_206 : vector<4096x1xi32> to vector<4096x64xi32>
    %eq3A_209 = arith.cmpi eq, %eq3A_208, %iota3A_207 : vector<4096x64xi32>
    %convert_element_type3A_210 = arith.extui %eq3A_209 : vector<4096x64xi1> to vector<4096x64xi32>
    %convert_element_type3A_211 = arith.sitofp %convert_element_type3A_210 : vector<4096x64xi32> to vector<4096x64xf32>
    %reduce_sum3A_212 = arith.constant dense<0.000000e+00> : vector<64xf32>
    %reduce_sum3A_213 = vector.multi_reduction <add>, %convert_element_type3A_211, %reduce_sum3A_212 [0] : vector<4096x64xf32> to vector<64xf32>
    %max3A_214 = arith.constant 1.000000e+00 : f32
    %max3A_215 = vector.broadcast %max3A_214 : f32 to vector<64xf32>
    %max3A_216 = arith.maximumf %reduce_sum3A_213, %max3A_215 : vector<64xf32>
    %broadcast_in_dim3A_217 = vector.shape_cast %max3A_216 : vector<64xf32> to vector<64x1xf32>
    %div3A_218 = vector.broadcast %broadcast_in_dim3A_217 : vector<64x1xf32> to vector<64x64xf32>
    %div3A_219 = arith.divf %reduce_sum3A_200, %div3A_218 : vector<64x64xf32>
    %get3A_220 = arith.constant 0 : index
    %get3A_221 = arith.constant 0 : index
    %get3A_222 = vector.load %arg3[%get3A_220, %get3A_221] : memref<64x256xf32, #tpu.memory_space<vmem>>, vector<64x256xf32>
    %dot_general3A_223 = arith.constant dense<0.000000e+00> : vector<64x256xf32>
    %dot_general3A_224 = tpu.matmul %div3A_219, %get3A_222, %dot_general3A_223 {dimension_numbers = #tpu.dot_dimension_numbers<[1], [0], [0], [1], [0, 0, 1, 1], [], []>, transpose_lhs_hint = false} : vector<64x64xf32>, vector<64x256xf32>, vector<64x256xf32> -> vector<64x256xf32>
    %get3A_225 = arith.constant 0 : index
    %get3A_226 = arith.constant 0 : index
    %get3A_227 = vector.load %arg4[%get3A_225, %get3A_226] : memref<1x256xf32, #tpu.memory_space<vmem>>, vector<1x256xf32>
    %get3A_228 = vector.shape_cast %get3A_227 : vector<1x256xf32> to vector<256xf32>
    %broadcast_in_dim3A_229 = vector.shape_cast %get3A_228 : vector<256xf32> to vector<1x256xf32>
    %add3A_230 = vector.broadcast %broadcast_in_dim3A_229 : vector<1x256xf32> to vector<64x256xf32>
    %add3A_231 = arith.addf %dot_general3A_224, %add3A_230 : vector<64x256xf32>
    %max3A_232 = arith.constant 0.000000e+00 : f32
    %max3A_233 = vector.broadcast %max3A_232 : f32 to vector<64x256xf32>
    %max3A_234 = arith.maximumf %add3A_231, %max3A_233 : vector<64x256xf32>
    %get3A_235 = arith.constant 0 : index
    %get3A_236 = arith.constant 0 : index
    %get3A_237 = vector.load %arg5[%get3A_235, %get3A_236] : memref<256x64xf32, #tpu.memory_space<vmem>>, vector<256x64xf32>
    %dot_general3A_238 = arith.constant dense<0.000000e+00> : vector<64x64xf32>
    %dot_general3A_239 = tpu.matmul %max3A_234, %get3A_237, %dot_general3A_238 {dimension_numbers = #tpu.dot_dimension_numbers<[1], [0], [0], [1], [0, 0, 1, 1], [], []>, transpose_lhs_hint = false} : vector<64x256xf32>, vector<256x64xf32>, vector<64x64xf32> -> vector<64x64xf32>
    %get3A_240 = arith.constant 0 : index
    %get3A_241 = arith.constant 0 : index
    %get3A_242 = vector.load %arg6[%get3A_240, %get3A_241] : memref<1x64xf32, #tpu.memory_space<vmem>>, vector<1x64xf32>
    %get3A_243 = vector.shape_cast %get3A_242 : vector<1x64xf32> to vector<64xf32>
    %broadcast_in_dim3A_244 = vector.shape_cast %get3A_243 : vector<64xf32> to vector<1x64xf32>
    %add3A_245 = vector.broadcast %broadcast_in_dim3A_244 : vector<1x64xf32> to vector<64x64xf32>
    %add3A_246 = arith.addf %dot_general3A_239, %add3A_245 : vector<64x64xf32>
    %get3A_247 = arith.constant 3 : index
    %get3A_248 = arith.constant 0 : index
    %get3A_249 = arith.constant 0 : index
    %get3A_250 = vector.load %arg7[%get3A_247, %get3A_248, %get3A_249] : memref<8x4096x64xf32, #tpu.memory_space<vmem>>, vector<1x4096x64xf32>
    %get3A_251 = vector.shape_cast %get3A_250 : vector<1x4096x64xf32> to vector<4096x64xf32>
    %dot_general3A_252 = arith.constant dense<0.000000e+00> : vector<4096x64xf32>
    %dot_general3A_253 = tpu.matmul %convert_element_type3A_211, %add3A_246, %dot_general3A_252 {dimension_numbers = #tpu.dot_dimension_numbers<[1], [0], [0], [1], [0, 0, 1, 1], [], []>, transpose_lhs_hint = false} : vector<4096x64xf32>, vector<64x64xf32>, vector<4096x64xf32> -> vector<4096x64xf32>
    %add3A_254 = arith.addf %get3A_251, %dot_general3A_253 : vector<4096x64xf32>
    %swap3A_255 = arith.constant 3 : index
    %swap3A_256 = arith.constant 0 : index
    %swap3A_257 = arith.constant 0 : index
    %swap3A_258 = vector.load %arg8[%swap3A_255, %swap3A_256, %swap3A_257] : memref<8x4096x64xf32, #tpu.memory_space<vmem>>, vector<1x4096x64xf32>
    %swap3A_259 = vector.shape_cast %swap3A_258 : vector<1x4096x64xf32> to vector<4096x64xf32>
    %swap3A_260 = vector.shape_cast %add3A_254 : vector<4096x64xf32> to vector<1x4096x64xf32>
    tpu.vector_store %arg8[%swap3A_255, %swap3A_256, %swap3A_257], %swap3A_260 {strides = array<i32>} : memref<8x4096x64xf32, #tpu.memory_space<vmem>>, vector<1x4096x64xf32>,
    %get3A_261 = arith.constant 4 : index
    %get3A_262 = arith.constant 0 : index
    %get3A_263 = arith.constant 0 : index
    %get3A_264 = arith.constant 0 : index
    %get3A_265 = vector.load %arg1[%get3A_261, %get3A_262, %get3A_263, %get3A_264] : memref<8x4x64x64xf32, #tpu.memory_space<vmem>>, vector<1x4x64x64xf32>
    %get3A_266 = vector.shape_cast %get3A_265 : vector<1x4x64x64xf32> to vector<4x64x64xf32>
    %reduce_sum3A_267 = arith.constant dense<0.000000e+00> : vector<64x64xf32>
    %reduce_sum3A_268 = vector.multi_reduction <add>, %get3A_266, %reduce_sum3A_267 [0] : vector<4x64x64xf32> to vector<64x64xf32>
    %get3A_269 = arith.constant 4 : index
    %get3A_270 = arith.constant 0 : index
    %get3A_271 = arith.constant 0 : index
    %get3A_272 = vector.load %arg2[%get3A_269, %get3A_270, %get3A_271] : memref<8x1x4096xi32, #tpu.memory_space<vmem>>, vector<1x1x4096xi32>
    %get3A_273 = vector.shape_cast %get3A_272 : vector<1x1x4096xi32> to vector<4096xi32>
    %broadcast_in_dim3A_274 = vector.shape_cast %get3A_273 : vector<4096xi32> to vector<4096x1xi32>
    %iota3A_275 = tpu.iota {dimensions = array<i32: 1>} : vector<4096x64xi32>
    %eq3A_276 = vector.broadcast %broadcast_in_dim3A_274 : vector<4096x1xi32> to vector<4096x64xi32>
    %eq3A_277 = arith.cmpi eq, %eq3A_276, %iota3A_275 : vector<4096x64xi32>
    %convert_element_type3A_278 = arith.extui %eq3A_277 : vector<4096x64xi1> to vector<4096x64xi32>
    %convert_element_type3A_279 = arith.sitofp %convert_element_type3A_278 : vector<4096x64xi32> to vector<4096x64xf32>
    %reduce_sum3A_280 = arith.constant dense<0.000000e+00> : vector<64xf32>
    %reduce_sum3A_281 = vector.multi_reduction <add>, %convert_element_type3A_279, %reduce_sum3A_280 [0] : vector<4096x64xf32> to vector<64xf32>
    %max3A_282 = arith.constant 1.000000e+00 : f32
    %max3A_283 = vector.broadcast %max3A_282 : f32 to vector<64xf32>
    %max3A_284 = arith.maximumf %reduce_sum3A_281, %max3A_283 : vector<64xf32>
    %broadcast_in_dim3A_285 = vector.shape_cast %max3A_284 : vector<64xf32> to vector<64x1xf32>
    %div3A_286 = vector.broadcast %broadcast_in_dim3A_285 : vector<64x1xf32> to vector<64x64xf32>
    %div3A_287 = arith.divf %reduce_sum3A_268, %div3A_286 : vector<64x64xf32>
    %get3A_288 = arith.constant 0 : index
    %get3A_289 = arith.constant 0 : index
    %get3A_290 = vector.load %arg3[%get3A_288, %get3A_289] : memref<64x256xf32, #tpu.memory_space<vmem>>, vector<64x256xf32>
    %dot_general3A_291 = arith.constant dense<0.000000e+00> : vector<64x256xf32>
    %dot_general3A_292 = tpu.matmul %div3A_287, %get3A_290, %dot_general3A_291 {dimension_numbers = #tpu.dot_dimension_numbers<[1], [0], [0], [1], [0, 0, 1, 1], [], []>, transpose_lhs_hint = false} : vector<64x64xf32>, vector<64x256xf32>, vector<64x256xf32> -> vector<64x256xf32>
    %get3A_293 = arith.constant 0 : index
    %get3A_294 = arith.constant 0 : index
    %get3A_295 = vector.load %arg4[%get3A_293, %get3A_294] : memref<1x256xf32, #tpu.memory_space<vmem>>, vector<1x256xf32>
    %get3A_296 = vector.shape_cast %get3A_295 : vector<1x256xf32> to vector<256xf32>
    %broadcast_in_dim3A_297 = vector.shape_cast %get3A_296 : vector<256xf32> to vector<1x256xf32>
    %add3A_298 = vector.broadcast %broadcast_in_dim3A_297 : vector<1x256xf32> to vector<64x256xf32>
    %add3A_299 = arith.addf %dot_general3A_292, %add3A_298 : vector<64x256xf32>
    %max3A_300 = arith.constant 0.000000e+00 : f32
    %max3A_301 = vector.broadcast %max3A_300 : f32 to vector<64x256xf32>
    %max3A_302 = arith.maximumf %add3A_299, %max3A_301 : vector<64x256xf32>
    %get3A_303 = arith.constant 0 : index
    %get3A_304 = arith.constant 0 : index
    %get3A_305 = vector.load %arg5[%get3A_303, %get3A_304] : memref<256x64xf32, #tpu.memory_space<vmem>>, vector<256x64xf32>
    %dot_general3A_306 = arith.constant dense<0.000000e+00> : vector<64x64xf32>
    %dot_general3A_307 = tpu.matmul %max3A_302, %get3A_305, %dot_general3A_306 {dimension_numbers = #tpu.dot_dimension_numbers<[1], [0], [0], [1], [0, 0, 1, 1], [], []>, transpose_lhs_hint = false} : vector<64x256xf32>, vector<256x64xf32>, vector<64x64xf32> -> vector<64x64xf32>
    %get3A_308 = arith.constant 0 : index
    %get3A_309 = arith.constant 0 : index
    %get3A_310 = vector.load %arg6[%get3A_308, %get3A_309] : memref<1x64xf32, #tpu.memory_space<vmem>>, vector<1x64xf32>
    %get3A_311 = vector.shape_cast %get3A_310 : vector<1x64xf32> to vector<64xf32>
    %broadcast_in_dim3A_312 = vector.shape_cast %get3A_311 : vector<64xf32> to vector<1x64xf32>
    %add3A_313 = vector.broadcast %broadcast_in_dim3A_312 : vector<1x64xf32> to vector<64x64xf32>
    %add3A_314 = arith.addf %dot_general3A_307, %add3A_313 : vector<64x64xf32>
    %get3A_315 = arith.constant 4 : index
    %get3A_316 = arith.constant 0 : index
    %get3A_317 = arith.constant 0 : index
    %get3A_318 = vector.load %arg7[%get3A_315, %get3A_316, %get3A_317] : memref<8x4096x64xf32, #tpu.memory_space<vmem>>, vector<1x4096x64xf32>
    %get3A_319 = vector.shape_cast %get3A_318 : vector<1x4096x64xf32> to vector<4096x64xf32>
    %dot_general3A_320 = arith.constant dense<0.000000e+00> : vector<4096x64xf32>
    %dot_general3A_321 = tpu.matmul %convert_element_type3A_279, %add3A_314, %dot_general3A_320 {dimension_numbers = #tpu.dot_dimension_numbers<[1], [0], [0], [1], [0, 0, 1, 1], [], []>, transpose_lhs_hint = false} : vector<4096x64xf32>, vector<64x64xf32>, vector<4096x64xf32> -> vector<4096x64xf32>
    %add3A_322 = arith.addf %get3A_319, %dot_general3A_321 : vector<4096x64xf32>
    %swap3A_323 = arith.constant 4 : index
    %swap3A_324 = arith.constant 0 : index
    %swap3A_325 = arith.constant 0 : index
    %swap3A_326 = vector.load %arg8[%swap3A_323, %swap3A_324, %swap3A_325] : memref<8x4096x64xf32, #tpu.memory_space<vmem>>, vector<1x4096x64xf32>
    %swap3A_327 = vector.shape_cast %swap3A_326 : vector<1x4096x64xf32> to vector<4096x64xf32>
    %swap3A_328 = vector.shape_cast %add3A_322 : vector<4096x64xf32> to vector<1x4096x64xf32>
    tpu.vector_store %arg8[%swap3A_323, %swap3A_324, %swap3A_325], %swap3A_328 {strides = array<i32>} : memref<8x4096x64xf32, #tpu.memory_space<vmem>>, vector<1x4096x64xf32>,
    %get3A_329 = arith.constant 5 : index
    %get3A_330 = arith.constant 0 : index
    %get3A_331 = arith.constant 0 : index
    %get3A_332 = arith.constant 0 : index
    %get3A_333 = vector.load %arg1[%get3A_329, %get3A_330, %get3A_331, %get3A_332] : memref<8x4x64x64xf32, #tpu.memory_space<vmem>>, vector<1x4x64x64xf32>
    %get3A_334 = vector.shape_cast %get3A_333 : vector<1x4x64x64xf32> to vector<4x64x64xf32>
    %reduce_sum3A_335 = arith.constant dense<0.000000e+00> : vector<64x64xf32>
    %reduce_sum3A_336 = vector.multi_reduction <add>, %get3A_334, %reduce_sum3A_335 [0] : vector<4x64x64xf32> to vector<64x64xf32>
    %get3A_337 = arith.constant 5 : index
    %get3A_338 = arith.constant 0 : index
    %get3A_339 = arith.constant 0 : index
    %get3A_340 = vector.load %arg2[%get3A_337, %get3A_338, %get3A_339] : memref<8x1x4096xi32, #tpu.memory_space<vmem>>, vector<1x1x4096xi32>
    %get3A_341 = vector.shape_cast %get3A_340 : vector<1x1x4096xi32> to vector<4096xi32>
    %broadcast_in_dim3A_342 = vector.shape_cast %get3A_341 : vector<4096xi32> to vector<4096x1xi32>
    %iota3A_343 = tpu.iota {dimensions = array<i32: 1>} : vector<4096x64xi32>
    %eq3A_344 = vector.broadcast %broadcast_in_dim3A_342 : vector<4096x1xi32> to vector<4096x64xi32>
    %eq3A_345 = arith.cmpi eq, %eq3A_344, %iota3A_343 : vector<4096x64xi32>
    %convert_element_type3A_346 = arith.extui %eq3A_345 : vector<4096x64xi1> to vector<4096x64xi32>
    %convert_element_type3A_347 = arith.sitofp %convert_element_type3A_346 : vector<4096x64xi32> to vector<4096x64xf32>
    %reduce_sum3A_348 = arith.constant dense<0.000000e+00> : vector<64xf32>
    %reduce_sum3A_349 = vector.multi_reduction <add>, %convert_element_type3A_347, %reduce_sum3A_348 [0] : vector<4096x64xf32> to vector<64xf32>
    %max3A_350 = arith.constant 1.000000e+00 : f32
    %max3A_351 = vector.broadcast %max3A_350 : f32 to vector<64xf32>
    %max3A_352 = arith.maximumf %reduce_sum3A_349, %max3A_351 : vector<64xf32>
    %broadcast_in_dim3A_353 = vector.shape_cast %max3A_352 : vector<64xf32> to vector<64x1xf32>
    %div3A_354 = vector.broadcast %broadcast_in_dim3A_353 : vector<64x1xf32> to vector<64x64xf32>
    %div3A_355 = arith.divf %reduce_sum3A_336, %div3A_354 : vector<64x64xf32>
    %get3A_356 = arith.constant 0 : index
    %get3A_357 = arith.constant 0 : index
    %get3A_358 = vector.load %arg3[%get3A_356, %get3A_357] : memref<64x256xf32, #tpu.memory_space<vmem>>, vector<64x256xf32>
    %dot_general3A_359 = arith.constant dense<0.000000e+00> : vector<64x256xf32>
    %dot_general3A_360 = tpu.matmul %div3A_355, %get3A_358, %dot_general3A_359 {dimension_numbers = #tpu.dot_dimension_numbers<[1], [0], [0], [1], [0, 0, 1, 1], [], []>, transpose_lhs_hint = false} : vector<64x64xf32>, vector<64x256xf32>, vector<64x256xf32> -> vector<64x256xf32>
    %get3A_361 = arith.constant 0 : index
    %get3A_362 = arith.constant 0 : index
    %get3A_363 = vector.load %arg4[%get3A_361, %get3A_362] : memref<1x256xf32, #tpu.memory_space<vmem>>, vector<1x256xf32>
    %get3A_364 = vector.shape_cast %get3A_363 : vector<1x256xf32> to vector<256xf32>
    %broadcast_in_dim3A_365 = vector.shape_cast %get3A_364 : vector<256xf32> to vector<1x256xf32>
    %add3A_366 = vector.broadcast %broadcast_in_dim3A_365 : vector<1x256xf32> to vector<64x256xf32>
    %add3A_367 = arith.addf %dot_general3A_360, %add3A_366 : vector<64x256xf32>
    %max3A_368 = arith.constant 0.000000e+00 : f32
    %max3A_369 = vector.broadcast %max3A_368 : f32 to vector<64x256xf32>
    %max3A_370 = arith.maximumf %add3A_367, %max3A_369 : vector<64x256xf32>
    %get3A_371 = arith.constant 0 : index
    %get3A_372 = arith.constant 0 : index
    %get3A_373 = vector.load %arg5[%get3A_371, %get3A_372] : memref<256x64xf32, #tpu.memory_space<vmem>>, vector<256x64xf32>
    %dot_general3A_374 = arith.constant dense<0.000000e+00> : vector<64x64xf32>
    %dot_general3A_375 = tpu.matmul %max3A_370, %get3A_373, %dot_general3A_374 {dimension_numbers = #tpu.dot_dimension_numbers<[1], [0], [0], [1], [0, 0, 1, 1], [], []>, transpose_lhs_hint = false} : vector<64x256xf32>, vector<256x64xf32>, vector<64x64xf32> -> vector<64x64xf32>
    %get3A_376 = arith.constant 0 : index
    %get3A_377 = arith.constant 0 : index
    %get3A_378 = vector.load %arg6[%get3A_376, %get3A_377] : memref<1x64xf32, #tpu.memory_space<vmem>>, vector<1x64xf32>
    %get3A_379 = vector.shape_cast %get3A_378 : vector<1x64xf32> to vector<64xf32>
    %broadcast_in_dim3A_380 = vector.shape_cast %get3A_379 : vector<64xf32> to vector<1x64xf32>
    %add3A_381 = vector.broadcast %broadcast_in_dim3A_380 : vector<1x64xf32> to vector<64x64xf32>
    %add3A_382 = arith.addf %dot_general3A_375, %add3A_381 : vector<64x64xf32>
    %get3A_383 = arith.constant 5 : index
    %get3A_384 = arith.constant 0 : index
    %get3A_385 = arith.constant 0 : index
    %get3A_386 = vector.load %arg7[%get3A_383, %get3A_384, %get3A_385] : memref<8x4096x64xf32, #tpu.memory_space<vmem>>, vector<1x4096x64xf32>
    %get3A_387 = vector.shape_cast %get3A_386 : vector<1x4096x64xf32> to vector<4096x64xf32>
    %dot_general3A_388 = arith.constant dense<0.000000e+00> : vector<4096x64xf32>
    %dot_general3A_389 = tpu.matmul %convert_element_type3A_347, %add3A_382, %dot_general3A_388 {dimension_numbers = #tpu.dot_dimension_numbers<[1], [0], [0], [1], [0, 0, 1, 1], [], []>, transpose_lhs_hint = false} : vector<4096x64xf32>, vector<64x64xf32>, vector<4096x64xf32> -> vector<4096x64xf32>
    %add3A_390 = arith.addf %get3A_387, %dot_general3A_389 : vector<4096x64xf32>
    %swap3A_391 = arith.constant 5 : index
    %swap3A_392 = arith.constant 0 : index
    %swap3A_393 = arith.constant 0 : index
    %swap3A_394 = vector.load %arg8[%swap3A_391, %swap3A_392, %swap3A_393] : memref<8x4096x64xf32, #tpu.memory_space<vmem>>, vector<1x4096x64xf32>
    %swap3A_395 = vector.shape_cast %swap3A_394 : vector<1x4096x64xf32> to vector<4096x64xf32>
    %swap3A_396 = vector.shape_cast %add3A_390 : vector<4096x64xf32> to vector<1x4096x64xf32>
    tpu.vector_store %arg8[%swap3A_391, %swap3A_392, %swap3A_393], %swap3A_396 {strides = array<i32>} : memref<8x4096x64xf32, #tpu.memory_space<vmem>>, vector<1x4096x64xf32>,
    %get3A_397 = arith.constant 6 : index
    %get3A_398 = arith.constant 0 : index
    %get3A_399 = arith.constant 0 : index
    %get3A_400 = arith.constant 0 : index
    %get3A_401 = vector.load %arg1[%get3A_397, %get3A_398, %get3A_399, %get3A_400] : memref<8x4x64x64xf32, #tpu.memory_space<vmem>>, vector<1x4x64x64xf32>
    %get3A_402 = vector.shape_cast %get3A_401 : vector<1x4x64x64xf32> to vector<4x64x64xf32>
    %reduce_sum3A_403 = arith.constant dense<0.000000e+00> : vector<64x64xf32>
    %reduce_sum3A_404 = vector.multi_reduction <add>, %get3A_402, %reduce_sum3A_403 [0] : vector<4x64x64xf32> to vector<64x64xf32>
    %get3A_405 = arith.constant 6 : index
    %get3A_406 = arith.constant 0 : index
    %get3A_407 = arith.constant 0 : index
    %get3A_408 = vector.load %arg2[%get3A_405, %get3A_406, %get3A_407] : memref<8x1x4096xi32, #tpu.memory_space<vmem>>, vector<1x1x4096xi32>
    %get3A_409 = vector.shape_cast %get3A_408 : vector<1x1x4096xi32> to vector<4096xi32>
    %broadcast_in_dim3A_410 = vector.shape_cast %get3A_409 : vector<4096xi32> to vector<4096x1xi32>
    %iota3A_411 = tpu.iota {dimensions = array<i32: 1>} : vector<4096x64xi32>
    %eq3A_412 = vector.broadcast %broadcast_in_dim3A_410 : vector<4096x1xi32> to vector<4096x64xi32>
    %eq3A_413 = arith.cmpi eq, %eq3A_412, %iota3A_411 : vector<4096x64xi32>
    %convert_element_type3A_414 = arith.extui %eq3A_413 : vector<4096x64xi1> to vector<4096x64xi32>
    %convert_element_type3A_415 = arith.sitofp %convert_element_type3A_414 : vector<4096x64xi32> to vector<4096x64xf32>
    %reduce_sum3A_416 = arith.constant dense<0.000000e+00> : vector<64xf32>
    %reduce_sum3A_417 = vector.multi_reduction <add>, %convert_element_type3A_415, %reduce_sum3A_416 [0] : vector<4096x64xf32> to vector<64xf32>
    %max3A_418 = arith.constant 1.000000e+00 : f32
    %max3A_419 = vector.broadcast %max3A_418 : f32 to vector<64xf32>
    %max3A_420 = arith.maximumf %reduce_sum3A_417, %max3A_419 : vector<64xf32>
    %broadcast_in_dim3A_421 = vector.shape_cast %max3A_420 : vector<64xf32> to vector<64x1xf32>
    %div3A_422 = vector.broadcast %broadcast_in_dim3A_421 : vector<64x1xf32> to vector<64x64xf32>
    %div3A_423 = arith.divf %reduce_sum3A_404, %div3A_422 : vector<64x64xf32>
    %get3A_424 = arith.constant 0 : index
    %get3A_425 = arith.constant 0 : index
    %get3A_426 = vector.load %arg3[%get3A_424, %get3A_425] : memref<64x256xf32, #tpu.memory_space<vmem>>, vector<64x256xf32>
    %dot_general3A_427 = arith.constant dense<0.000000e+00> : vector<64x256xf32>
    %dot_general3A_428 = tpu.matmul %div3A_423, %get3A_426, %dot_general3A_427 {dimension_numbers = #tpu.dot_dimension_numbers<[1], [0], [0], [1], [0, 0, 1, 1], [], []>, transpose_lhs_hint = false} : vector<64x64xf32>, vector<64x256xf32>, vector<64x256xf32> -> vector<64x256xf32>
    %get3A_429 = arith.constant 0 : index
    %get3A_430 = arith.constant 0 : index
    %get3A_431 = vector.load %arg4[%get3A_429, %get3A_430] : memref<1x256xf32, #tpu.memory_space<vmem>>, vector<1x256xf32>
    %get3A_432 = vector.shape_cast %get3A_431 : vector<1x256xf32> to vector<256xf32>
    %broadcast_in_dim3A_433 = vector.shape_cast %get3A_432 : vector<256xf32> to vector<1x256xf32>
    %add3A_434 = vector.broadcast %broadcast_in_dim3A_433 : vector<1x256xf32> to vector<64x256xf32>
    %add3A_435 = arith.addf %dot_general3A_428, %add3A_434 : vector<64x256xf32>
    %max3A_436 = arith.constant 0.000000e+00 : f32
    %max3A_437 = vector.broadcast %max3A_436 : f32 to vector<64x256xf32>
    %max3A_438 = arith.maximumf %add3A_435, %max3A_437 : vector<64x256xf32>
    %get3A_439 = arith.constant 0 : index
    %get3A_440 = arith.constant 0 : index
    %get3A_441 = vector.load %arg5[%get3A_439, %get3A_440] : memref<256x64xf32, #tpu.memory_space<vmem>>, vector<256x64xf32>
    %dot_general3A_442 = arith.constant dense<0.000000e+00> : vector<64x64xf32>
    %dot_general3A_443 = tpu.matmul %max3A_438, %get3A_441, %dot_general3A_442 {dimension_numbers = #tpu.dot_dimension_numbers<[1], [0], [0], [1], [0, 0, 1, 1], [], []>, transpose_lhs_hint = false} : vector<64x256xf32>, vector<256x64xf32>, vector<64x64xf32> -> vector<64x64xf32>
    %get3A_444 = arith.constant 0 : index
    %get3A_445 = arith.constant 0 : index
    %get3A_446 = vector.load %arg6[%get3A_444, %get3A_445] : memref<1x64xf32, #tpu.memory_space<vmem>>, vector<1x64xf32>
    %get3A_447 = vector.shape_cast %get3A_446 : vector<1x64xf32> to vector<64xf32>
    %broadcast_in_dim3A_448 = vector.shape_cast %get3A_447 : vector<64xf32> to vector<1x64xf32>
    %add3A_449 = vector.broadcast %broadcast_in_dim3A_448 : vector<1x64xf32> to vector<64x64xf32>
    %add3A_450 = arith.addf %dot_general3A_443, %add3A_449 : vector<64x64xf32>
    %get3A_451 = arith.constant 6 : index
    %get3A_452 = arith.constant 0 : index
    %get3A_453 = arith.constant 0 : index
    %get3A_454 = vector.load %arg7[%get3A_451, %get3A_452, %get3A_453] : memref<8x4096x64xf32, #tpu.memory_space<vmem>>, vector<1x4096x64xf32>
    %get3A_455 = vector.shape_cast %get3A_454 : vector<1x4096x64xf32> to vector<4096x64xf32>
    %dot_general3A_456 = arith.constant dense<0.000000e+00> : vector<4096x64xf32>
    %dot_general3A_457 = tpu.matmul %convert_element_type3A_415, %add3A_450, %dot_general3A_456 {dimension_numbers = #tpu.dot_dimension_numbers<[1], [0], [0], [1], [0, 0, 1, 1], [], []>, transpose_lhs_hint = false} : vector<4096x64xf32>, vector<64x64xf32>, vector<4096x64xf32> -> vector<4096x64xf32>
    %add3A_458 = arith.addf %get3A_455, %dot_general3A_457 : vector<4096x64xf32>
    %swap3A_459 = arith.constant 6 : index
    %swap3A_460 = arith.constant 0 : index
    %swap3A_461 = arith.constant 0 : index
    %swap3A_462 = vector.load %arg8[%swap3A_459, %swap3A_460, %swap3A_461] : memref<8x4096x64xf32, #tpu.memory_space<vmem>>, vector<1x4096x64xf32>
    %swap3A_463 = vector.shape_cast %swap3A_462 : vector<1x4096x64xf32> to vector<4096x64xf32>
    %swap3A_464 = vector.shape_cast %add3A_458 : vector<4096x64xf32> to vector<1x4096x64xf32>
    tpu.vector_store %arg8[%swap3A_459, %swap3A_460, %swap3A_461], %swap3A_464 {strides = array<i32>} : memref<8x4096x64xf32, #tpu.memory_space<vmem>>, vector<1x4096x64xf32>,
    %get3A_465 = arith.constant 7 : index
    %get3A_466 = arith.constant 0 : index
    %get3A_467 = arith.constant 0 : index
    %get3A_468 = arith.constant 0 : index
    %get3A_469 = vector.load %arg1[%get3A_465, %get3A_466, %get3A_467, %get3A_468] : memref<8x4x64x64xf32, #tpu.memory_space<vmem>>, vector<1x4x64x64xf32>
    %get3A_470 = vector.shape_cast %get3A_469 : vector<1x4x64x64xf32> to vector<4x64x64xf32>
    %reduce_sum3A_471 = arith.constant dense<0.000000e+00> : vector<64x64xf32>
    %reduce_sum3A_472 = vector.multi_reduction <add>, %get3A_470, %reduce_sum3A_471 [0] : vector<4x64x64xf32> to vector<64x64xf32>
    %get3A_473 = arith.constant 7 : index
    %get3A_474 = arith.constant 0 : index
    %get3A_475 = arith.constant 0 : index
    %get3A_476 = vector.load %arg2[%get3A_473, %get3A_474, %get3A_475] : memref<8x1x4096xi32, #tpu.memory_space<vmem>>, vector<1x1x4096xi32>
    %get3A_477 = vector.shape_cast %get3A_476 : vector<1x1x4096xi32> to vector<4096xi32>
    %broadcast_in_dim3A_478 = vector.shape_cast %get3A_477 : vector<4096xi32> to vector<4096x1xi32>
    %iota3A_479 = tpu.iota {dimensions = array<i32: 1>} : vector<4096x64xi32>
    %eq3A_480 = vector.broadcast %broadcast_in_dim3A_478 : vector<4096x1xi32> to vector<4096x64xi32>
    %eq3A_481 = arith.cmpi eq, %eq3A_480, %iota3A_479 : vector<4096x64xi32>
    %convert_element_type3A_482 = arith.extui %eq3A_481 : vector<4096x64xi1> to vector<4096x64xi32>
    %convert_element_type3A_483 = arith.sitofp %convert_element_type3A_482 : vector<4096x64xi32> to vector<4096x64xf32>
    %reduce_sum3A_484 = arith.constant dense<0.000000e+00> : vector<64xf32>
    %reduce_sum3A_485 = vector.multi_reduction <add>, %convert_element_type3A_483, %reduce_sum3A_484 [0] : vector<4096x64xf32> to vector<64xf32>
    %max3A_486 = arith.constant 1.000000e+00 : f32
    %max3A_487 = vector.broadcast %max3A_486 : f32 to vector<64xf32>
    %max3A_488 = arith.maximumf %reduce_sum3A_485, %max3A_487 : vector<64xf32>
    %broadcast_in_dim3A_489 = vector.shape_cast %max3A_488 : vector<64xf32> to vector<64x1xf32>
    %div3A_490 = vector.broadcast %broadcast_in_dim3A_489 : vector<64x1xf32> to vector<64x64xf32>
    %div3A_491 = arith.divf %reduce_sum3A_472, %div3A_490 : vector<64x64xf32>
    %get3A_492 = arith.constant 0 : index
    %get3A_493 = arith.constant 0 : index
    %get3A_494 = vector.load %arg3[%get3A_492, %get3A_493] : memref<64x256xf32, #tpu.memory_space<vmem>>, vector<64x256xf32>
    %dot_general3A_495 = arith.constant dense<0.000000e+00> : vector<64x256xf32>
    %dot_general3A_496 = tpu.matmul %div3A_491, %get3A_494, %dot_general3A_495 {dimension_numbers = #tpu.dot_dimension_numbers<[1], [0], [0], [1], [0, 0, 1, 1], [], []>, transpose_lhs_hint = false} : vector<64x64xf32>, vector<64x256xf32>, vector<64x256xf32> -> vector<64x256xf32>
    %get3A_497 = arith.constant 0 : index
    %get3A_498 = arith.constant 0 : index
    %get3A_499 = vector.load %arg4[%get3A_497, %get3A_498] : memref<1x256xf32, #tpu.memory_space<vmem>>, vector<1x256xf32>
    %get3A_500 = vector.shape_cast %get3A_499 : vector<1x256xf32> to vector<256xf32>
    %broadcast_in_dim3A_501 = vector.shape_cast %get3A_500 : vector<256xf32> to vector<1x256xf32>
    %add3A_502 = vector.broadcast %broadcast_in_dim3A_501 : vector<1x256xf32> to vector<64x256xf32>
    %add3A_503 = arith.addf %dot_general3A_496, %add3A_502 : vector<64x256xf32>
    %max3A_504 = arith.constant 0.000000e+00 : f32
    %max3A_505 = vector.broadcast %max3A_504 : f32 to vector<64x256xf32>
    %max3A_506 = arith.maximumf %add3A_503, %max3A_505 : vector<64x256xf32>
    %get3A_507 = arith.constant 0 : index
    %get3A_508 = arith.constant 0 : index
    %get3A_509 = vector.load %arg5[%get3A_507, %get3A_508] : memref<256x64xf32, #tpu.memory_space<vmem>>, vector<256x64xf32>
    %dot_general3A_510 = arith.constant dense<0.000000e+00> : vector<64x64xf32>
    %dot_general3A_511 = tpu.matmul %max3A_506, %get3A_509, %dot_general3A_510 {dimension_numbers = #tpu.dot_dimension_numbers<[1], [0], [0], [1], [0, 0, 1, 1], [], []>, transpose_lhs_hint = false} : vector<64x256xf32>, vector<256x64xf32>, vector<64x64xf32> -> vector<64x64xf32>
    %get3A_512 = arith.constant 0 : index
    %get3A_513 = arith.constant 0 : index
    %get3A_514 = vector.load %arg6[%get3A_512, %get3A_513] : memref<1x64xf32, #tpu.memory_space<vmem>>, vector<1x64xf32>
    %get3A_515 = vector.shape_cast %get3A_514 : vector<1x64xf32> to vector<64xf32>
    %broadcast_in_dim3A_516 = vector.shape_cast %get3A_515 : vector<64xf32> to vector<1x64xf32>
    %add3A_517 = vector.broadcast %broadcast_in_dim3A_516 : vector<1x64xf32> to vector<64x64xf32>
    %add3A_518 = arith.addf %dot_general3A_511, %add3A_517 : vector<64x64xf32>
    %get3A_519 = arith.constant 7 : index
    %get3A_520 = arith.constant 0 : index
    %get3A_521 = arith.constant 0 : index
    %get3A_522 = vector.load %arg7[%get3A_519, %get3A_520, %get3A_521] : memref<8x4096x64xf32, #tpu.memory_space<vmem>>, vector<1x4096x64xf32>
    %get3A_523 = vector.shape_cast %get3A_522 : vector<1x4096x64xf32> to vector<4096x64xf32>
    %dot_general3A_524 = arith.constant dense<0.000000e+00> : vector<4096x64xf32>
    %dot_general3A_525 = tpu.matmul %convert_element_type3A_483, %add3A_518, %dot_general3A_524 {dimension_numbers = #tpu.dot_dimension_numbers<[1], [0], [0], [1], [0, 0, 1, 1], [], []>, transpose_lhs_hint = false} : vector<4096x64xf32>, vector<64x64xf32>, vector<4096x64xf32> -> vector<4096x64xf32>
    %add3A_526 = arith.addf %get3A_523, %dot_general3A_525 : vector<4096x64xf32>
    %swap3A_527 = arith.constant 7 : index
    %swap3A_528 = arith.constant 0 : index
    %swap3A_529 = arith.constant 0 : index
    %swap3A_530 = vector.load %arg8[%swap3A_527, %swap3A_528, %swap3A_529] : memref<8x4096x64xf32, #tpu.memory_space<vmem>>, vector<1x4096x64xf32>
    %swap3A_531 = vector.shape_cast %swap3A_530 : vector<1x4096x64xf32> to vector<4096x64xf32>
    %swap3A_532 = vector.shape_cast %add3A_526 : vector<4096x64xf32> to vector<1x4096x64xf32>
    tpu.vector_store %arg8[%swap3A_527, %swap3A_528, %swap3A_529], %swap3A_532 {strides = array<i32>} : memref<8x4096x64xf32, #tpu.memory_space<vmem>>, vector<1x4096x64xf32>,
    return
  }
  func.func @transform_0(%arg0: i32) -> (i32, i32, i32, i32) {
    %c0_i32 = arith.constant 0 : i32
    %c0_i32_0 = arith.constant 0 : i32
    %c0_i32_1 = arith.constant 0 : i32
    %c0_i32_2 = arith.constant 0 : i32
    return %arg0, %c0_i32, %c0_i32_0, %c0_i32_1 : i32, i32, i32, i32
  }
  func.func @transform_1(%arg0: i32) -> (i32, i32, i32) {
    %c0_i32 = arith.constant 0 : i32
    %c0_i32_0 = arith.constant 0 : i32
    %c0_i32_1 = arith.constant 0 : i32
    return %arg0, %c0_i32, %c0_i32_0 : i32, i32, i32
  }
  func.func @transform_2(%arg0: i32) -> (i32, i32) {
    %c0_i32 = arith.constant 0 : i32
    %c0_i32_0 = arith.constant 0 : i32
    %c0_i32_1 = arith.constant 0 : i32
    return %c0_i32, %c0_i32_0 : i32, i32
  }
  func.func @transform_3(%arg0: i32) -> (i32, i32) {
    %c0_i32 = arith.constant 0 : i32
    %c0_i32_0 = arith.constant 0 : i32
    %c0_i32_1 = arith.constant 0 : i32
    return %c0_i32, %c0_i32_0 : i32, i32
  }
  func.func @transform_4(%arg0: i32) -> (i32, i32) {
    %c0_i32 = arith.constant 0 : i32
    %c0_i32_0 = arith.constant 0 : i32
    %c0_i32_1 = arith.constant 0 : i32
    return %c0_i32, %c0_i32_0 : i32, i32
  }
  func.func @transform_5(%arg0: i32) -> (i32, i32) {
    %c0_i32 = arith.constant 0 : i32
    %c0_i32_0 = arith.constant 0 : i32
    %c0_i32_1 = arith.constant 0 : i32
    return %c0_i32, %c0_i32_0 : i32, i32
  }
  func.func @transform_6(%arg0: i32) -> (i32, i32, i32) {
    %c0_i32 = arith.constant 0 : i32
    %c0_i32_0 = arith.constant 0 : i32
    %c0_i32_1 = arith.constant 0 : i32
    return %arg0, %c0_i32, %c0_i32_0 : i32, i32, i32
  }
  func.func @transform_7(%arg0: i32) -> (i32, i32, i32) {
    %c0_i32 = arith.constant 0 : i32
    %c0_i32_0 = arith.constant 0 : i32
    %c0_i32_1 = arith.constant 0 : i32
    return %arg0, %c0_i32, %c0_i32_0 : i32, i32, i32
  }
}

</mosaic_0001>

<sc_bundles>
// kernel: kernel.4.cloned.1.call-start
scs
__scs_entry_jumppad:
0x0: {  	(pc) =	sbr.rel $0x88, $3  }
0x1: {  	(tag) =	ssettag $0x0;
	lr =	simm.s32 $0x1  }
0x2: {  	[smem:$0x3F9B] =	sst lr;
	_ =	strace $0xD0000000  }
0x3: {  	_ = 	snop  }
0x4: {  	_ = 	snop  }
0x5: {  	_ = 	snop  }
0x6: {  	_ = 	snop  }
0x7: {  	_ = 	snop  }
__scs_overlays_trampoline_lowered:
0x8: {  	[smem:$0x3FAA] =	sst s0  }
0x9: {  	[smem:$0x3FAB] =	sst s1  }
0xa: {  	[smem:$0x3FAC] =	sst s2  }
0xb: {  	[smem:$0x3FAD] =	sst s3  }
0xc: {  	[smem:$0x3FAE] =	sst s4  }
0xd: {  	[smem:$0x3FAF] =	sst s5  }
0xe: {  	[smem:$0x3FB0] =	sst s6  }
0xf: {  	[smem:$0x3FB1] =	sst s7  }
0x10: {  	[smem:$0x3FB2] =	sst s8  }
0x11: {  	[smem:$0x3FB3] =	sst s9;
	s0 =	simm.s32 @!p0 $0x0  }
0x12: {  	s1 =	sld [smem:$0x3F99];
	s0 =	simm.s32 @p0 $0x1  }
0x13: {  	[smem:$0x3FB4] =	sst s0;
	s0 =	simm.s32 @!p1 $0x0  }
0x14: {  	s2 =	sld [smem:$0x3F98];
	s0 =	simm.s32 @p1 $0x1  }
0x15: {  	[smem:$0x3FB5] =	sst s0;
	s0 =	simm.s32 @!p2 $0x0  }
0x16: {  	s3 =	sld [smem:$0x3FDB];
	s0 =	simm.s32 @p2 $0x1  }
0x17: {  	s4 =	simm.s32 $0x1BF5;
	[smem:$0x3FB7] =	sst s0  }
0x18: {  	s0 =	sld [smem:$0x3F9A];
	_ =	swait.ge [sflag:s4], $0x0  }
0x19: {  	s7 =	sld [smem:$0x3F9B]  }
0x1a: {  	s8 =	sadd.s32 $0xFFFFE003, lr  }
0x1b: {  	s9 =	sadd.s32 $0xFFFFFEF7, lr;
	s5 =	simm.s32 $0xFFFFFFFF;
	p2 =	slt.u32 s8, $0xFFFFF086  }
0x1c: {  	p1 =	slt.u32 s9, $0xF7A;
	s5 =	simm.s32 @!p2 $0x0  }
0x1d: {  	s5 =	simm.s32 @p1 $0x1;
	p0 =	seq.s32 s7, s2  }
0x1e: {  	s7 =	smul.u32 @!p0 $0xF7A, s2;
	p2 =	seq.s32 @!p0 s5, $0x0  }
0x1f: {  	s9 =	smul.u32 $0xF7A, s1;
	s8 =	simm.s32 @!p0 $0x1BF5;
	p2 =	por !p2, p0  }
0x20: {  	[sflag:s8] =	ssyncset.s32 @!p0 $0xFFFFF086;
	s6 =	sadd.s32 @!p0 s3, s7;
	s7 =	simm.s32 @!p0 $0x108  }
0x21: {  	s3 =	sadd.s32 s3, s9;
	s6 =	sadd.s32 @!p0 $0x88, s6;
	s7 =	simm.s32 @p2 $0x1082  }
0x22: {  	[simem:s7], [sflag:s8] =	dma.local @!p0 [hbm:s6], $0xF7A  }
0x23: {  	s9 =	sor.u32 $0xD0000000, s2;
	s6 =	simm.s32 $0x108;
	_ =	swait.ge @!p0 [sflag:s8], $0x0  }
0x24: {  	s3 =	sadd.s32 $0x88, s3;
	s6 =	simm.s32 @!p1 $0x1082;
	[sflag:s4] =	ssyncset.s32 $0xFFFFF086  }
0x25: {  	[simem:s6], [sflag:s4] =	dma.local [hbm:s3], $0xF7A  }
0x26: {  	[smem:$0x3F9B] =	sst s1;
	(tag) =	ssettag s2;
	_ =	strace s9  }
0x27: {  	s1 =	sld [smem:$0x3FAB]  }
0x28: {  	s2 =	sld [smem:$0x3FAC]  }
0x29: {  	s4 =	sld [smem:$0x3FAE]  }
0x2a: {  	p0 =	seq.s32 s5, $0x0;
	s5 =	sld [smem:$0x3FAF]  }
0x2b: {  	s6 =	sld [smem:$0x3FB0]  }
0x2c: {  	s7 =	sld [smem:$0x3FB1]  }
0x2d: {  	s3 =	simm.s32 $0x108;
	s8 =	sld [smem:$0x3FB2]  }
0x2e: {  	s3 =	simm.s32 @!p0 $0x1082;
	s9 =	sld [smem:$0x3FB3]  }
0x2f: {  	lr =	sadd.s32 s0, s3;
	s0 =	sld [smem:$0x3FAA]  }
0x30: {  	s3 =	sld [smem:$0x3FAD]  }
0x31: {  	[smem:$0x3FB6] =	sst s10  }
0x32: {  	s10 =	sld [smem:$0x3FB4];
	_ =	sdelay $0x3  }
0x33: {  	p0 =	seq.s32 s10, $0x1;
	s10 =	sld [smem:$0x3FB6];
	_ =	sdelay $0x3  }
0x34: {  	[smem:$0x3FB6] =	sst s10  }
0x35: {  	s10 =	sld [smem:$0x3FB5];
	_ =	sdelay $0x3  }
0x36: {  	p1 =	seq.s32 s10, $0x1;
	s10 =	sld [smem:$0x3FB6];
	_ =	sdelay $0x3  }
0x37: {  	[smem:$0x3FB6] =	sst s10  }
0x38: {  	s10 =	sld [smem:$0x3FB7]  }
0x39: {  	_ = 	snop;
	(pc) =	sbr.ind lr, $3  }
0x3a: {  	_ = 	snop  }
0x3b: {  	_ = 	snop  }
0x3c: {  	p2 =	seq.s32 s10, $0x1;
	s10 =	sld [smem:$0x3FB6]  }
0x3d: {  	_ =	shalt  }
0x3e: {  	_ =	shalt  }
0x3f: {  	_ =	shalt  }
0x40: {  	_ =	shalt  }
0x41: {  	_ =	shalt  }
0x42: {  	_ =	shalt  }
0x43: {  	_ =	shalt  }
0x44: {  	_ =	shalt  }
0x45: {  	_ =	shalt  }
0x46: {  	_ =	shalt  }
0x47: {  	_ =	shalt  }
0x48: {  	_ =	shalt  }
0x49: {  	_ =	shalt  }
0x4a: {  	_ =	shalt  }
0x4b: {  	_ =	shalt  }
0x4c: {  	_ =	shalt  }
0x4d: {  	_ =	shalt  }
0x4e: {  	_ =	shalt  }
0x4f: {  	_ =	shalt  }
0x50: {  	_ =	shalt  }
0x51: {  	_ =	shalt  }
0x52: {  	_ =	shalt  }
0x53: {  	_ =	shalt  }
0x54: {  	_ =	shalt  }
0x55: {  	_ =	shalt  }
0x56: {  	_ =	shalt  }
0x57: {  	_ =	shalt  }
0x58: {  	_ =	shalt  }
0x59: {  	_ =	shalt  }
0x5a: {  	_ =	shalt  }
0x5b: {  	_ =	shalt  }
0x5c: {  	_ =	shalt  }
0x5d: {  	_ =	shalt  }
0x5e: {  	_ =	shalt  }
0x5f: {  	_ =	shalt  }
0x60: {  	_ =	shalt  }
0x61: {  	_ =	shalt  }
0x62: {  	_ =	shalt  }
0x63: {  	_ =	shalt  }
0x64: {  	_ =	shalt  }
0x65: {  	_ =	shalt  }
0x66: {  	_ =	shalt  }
0x67: {  	_ =	shalt  }
0x68: {  	_ =	shalt  }
0x69: {  	_ =	shalt  }
0x6a: {  	_ =	shalt  }
0x6b: {  	_ =	shalt  }
0x6c: {  	_ =	shalt  }
0x6d: {  	_ =	shalt  }
0x6e: {  	_ =	shalt  }
0x6f: {  	_ =	shalt  }
0x70: {  	_ =	shalt  }
0x71: {  	_ =	shalt  }
0x72: {  	_ =	shalt  }
0x73: {  	_ =	shalt  }
0x74: {  	_ =	shalt  }
0x75: {  	_ =	shalt  }
0x76: {  	_ =	shalt  }
0x77: {  	_ =	shalt  }
0x78: {  	_ =	shalt  }
0x79: {  	_ =	shalt  }
0x7a: {  	_ =	shalt  }
0x7b: {  	_ =	shalt  }
0x7c: {  	_ =	shalt  }
0x7d: {  	_ =	shalt  }
0x7e: {  	_ =	shalt  }
0x7f: {  	_ =	shalt  }
0x80: {  	_ =	shalt  }
0x81: {  	_ =	shalt  }
0x82: {  	_ =	shalt  }
0x83: {  	_ =	shalt  }
0x84: {  	_ =	shalt  }
0x85: {  	_ =	shalt  }
0x86: {  	_ =	shalt  }
0x87: {  	_ =	shalt  }
.Lfunc_end0:
.L_simem_size_0:
called_computation_lowered:
.L_overlay_start_0:
0x88: {  	s2 =	sld [smem:$0x3FD9]  }
0x89: {  	s3 =	sld [smem:$0x3FFE];
	_ =	sdelay $0x1  }
0x8a: {  	s1 =	srdreg.scid  }
0x8b: {  	s0 =	sand.u32 $0x1, s1  }
0x8c: {  	s17 =	sshll.u32 s0, $0xA;
	s2 =	sadd.s32 s3, s2  }
0x8d: {  	s2 =	sadd.s32 s2, s17  }
0x8e: {  	[smem:$0x3FC2] =	sst s2  }
0x8f: {  	_ = 	snop  }
0x90: {  	s2 =	sld [smem:$0x3FD0];
	(tm) =	ssettm $0x1  }
0x91: {  	s18 =	sld [smem:$0x3FFB];
	_ =	sdelay $0x3  }
0x92: {  	_ =	strace s18  }
0x93: {  	s3 =	sld [smem:$0x3FFC];
	_ =	sdelay $0x3  }
0x94: {  	_ =	strace s3  }
0x95: {  	s3 =	sld [smem:$0x3FFD];
	_ =	sdelay $0x3  }
0x96: {  	_ =	strace s3  }
0x97: {  	_ =	strace $0x8FFFFFFF  }
0x98: {  	s19 =	sld [smem:$0x3FDB];
	_ =	sdelay $0x1  }
0x99: {  	s4 =	simm.s32 $_scs_section_size  }
0x9a: {  	s5 =	simm.s32 $_size__tile_overlayer_lowered;
	s6 =	simm.s32 $_tile_overlayer_lowered  }
0x9b: {  	s22 =	simm.s32 $0x1BFF;
	s21 =	sshll.u32 s6, $0x1;
	s3 =	sadd.s32 s4, s19  }
0x9c: {  	s7 =	simm.s32 $0x0;
	s20 =	sshll.u32 s5, $0x1;
	s5 =	sadd.s32 s21, s3  }
0x9d: {  	[timem:s7], [sflag:s22] =	dma.local [hbm:s5], s20  }
0x9e: {  	_ =	swait.ge [sflag:s22], s20  }
0x9f: {  	s4 =	ssub.s32 $0x0, s20;
	[sflag:s22] =	ssyncset.done $0x0  }
0xa0: {  	[sflag:s22] =	ssyncadd.s32 s4;
	_ =	sdelay $0x1  }
0xa1: {  	s23 =	simm.s32 $0x1B8B  }
0xa2: {  	_ =	swait.ge [sflag:s23], $0x1  }
0xa3: {  	[sflag:s23] =	ssyncset.done $0x0  }
0xa4: {  	s25 =	simm.s32 $0x1B8E;
	s24 =	sld [smem:$0x3FFE];
	[sflag:s23] =	ssyncadd.s32 $0xFFFFFFFF  }
0xa5: {  	s26 =	simm.s32 $execute0_lowered;
	[smem:$0x3FD2] =	sst s25  }
0xa6: {  	s5 =	sshll.u32 s26, $0x1;
	_ =	strace $0x80000046;
	[dreg:$0x1] =	wrdreg $0xFFFFFFFF  }
0xa7: {  	s28 =	simm.s32 $_size_execute0_lowered;
	s3 =	sadd.s32 s3, s5;
	[dreg:$0x0] =	wrdreg $0x0  }
0xa8: {  	s5 =	sshll.u32 s28, $0x1;
	[dreg:$0x2] =	wrdreg s3  }
0xa9: {  	[dreg:$0x3] =	wrdreg s5  }
0xaa: {  	[dreg:$0x4] =	wrdreg $0xC0  }
0xab: {  	_ =	task [dreg:s7], $0x5FFFF  }
0xac: {  	[dreg:$0x1] =	wrdreg $0xFFFFFFFF  }
0xad: {  	[dreg:$0x0] =	wrdreg $0x60  }
0xae: {  	[dreg:$0x2] =	wrdreg s2  }
0xaf: {  	[dreg:$0x3] =	wrdreg s24  }
0xb0: {  	[dreg:$0x4] =	wrdreg $0x9  }
0xb1: {  	_ =	task.clear_ibuf [dreg:s7], $0x5FFFF;
	_ =	strace $0x90000046  }
0xb2: {  	s29 =	simm.s32 $0x9;
	_ =	strace $0x80000048  }
0xb3: {  	_ =	swait.ge [sflag:s29], $0x1  }
0xb4: {  	[sflag:s29] =	ssyncadd.s32 $0xFFFFFFFF  }
0xb5: {  	_ =	strace $0x90000048  }
0xb6: {  	_ =	sfence  }
0xb7: {  	s30 =	sld [smem:$0x0];
	_ =	sdelay $0x2  }
0xb8: {  	s31 =	sshll.u32 s1, $0xD;
	s1 =	sshrl.u32 s1, $0x2  }
0xb9: {  	s3 =	sand.u32 $0x4000, s31;
	s1 =	sadd.s32 s1, s30  }
0xba: {  	s0 =	sor.u32 s3, s0;
	s1 =	sshll.u32 s1, $0x11  }
0xbb: {  	s0 =	sor.u32 s1, s0  }
0xbc: {  	s0 =	sadd.s32 $0x8F2B, s0  }
0xbd: {  	[sflag:s0] =	ssyncadd.remote.s32 $0x1  }
0xbe: {  	_ =	sfence.sel $0xFFFF  }
0xbf: {  	[dreg:$0x0] =	wrdreg $0xFFFFFFFF;
	(pc) =	sbr.abs _section_cstart, $3  }
0xc0: {  	[dreg:$0x1] =	wrdreg $0xFFFFFFFF  }
0xc1: {  	_ =	task.clear_ibuf [dreg:s7], $0x2FFFF;
	_ =	strace $0x9FFFFFFF  }
0xc2: {  	(tm) =	ssettm $0x7FFFFFFF  }
0xc3: {  	_ =	shalt  }
tec
execute0_lowered:
.L_overlay_start_1:
0x0: {  	(tag) =	ssettag $0x1  }
0x1: {  	s3 =	rddreg [dreg:$0x0]  }
0x2: {  	s1 =	srdreg.scid;
	s0 =	stileid.u32  }
0x3: {  	s4 =	rddreg [dreg:$0x1];
	s2 =	simm.s32 $0x0;
	s10 =	simm.s32 $0x80  }
0x4: {  	s11 =	simm.s32 $0x200;
	s5 =	sand.u32 $0x1, s1;
	s1 =	rddreg [dreg:$0x2]  }
0x5: {  	s12 =	simm.s32 $0x0;
	s6 =	sshll.u32 s0, $0x1;
	[smem:$0x7FF] =	sst s2  }
0x6: {  	s8 =	sshll.u32 s0, $0xA;
	s6 =	sor.u32 s5, s6;
	_ =	strace $0x80000047  }
0x7: {  	s8 =	sand.u32 $0x3800, s8;
	s5 =	ssub.s32 $0x2, s5;
	s7 =	sshll.u32 s6, $0x7  }
0x8: {  	s30 =	sshll.u32 s6, $0x4;
	s9 =	sshrl.u32 s5, $0x1;
	s6 =	sshll.u32 s6, $0xD  }
0x9: {  	s7 =	sadd.s32 s7, s4;
	s4 =	sadd.s32 s8, s4;
	s8 =	sand.u32 $0x30, s30  }
0xa: {  	s9 =	ssub.s32 s5, s9;
	s3 =	sadd.s32 s3, s6;
	s31 =	sadd.s32 s8, s4  }
0xb: {  	v0 =	vimm.f32 $0.0e+00;
	v1 =	vlaneseq.u32;
	s4 =	sadd.s32 $0x1000, s7;
	s6 =	smax.u32 s9, $0x1;
	s7 =	simm.s32 $0x1  }
0xc: {  	v2 =	vor.u32 $0x10, v1;
	v3 =	vor.u32 $0x20, v1;
	v4 =	vor.u32 $0x30, v1;
	s8 =	simm.s32 $0x10000;
	s9 =	simm.s32 $0x10400;
	s5 =	sadd.s32 $0x82000, s31  }
.LBB2_1:
0xd: {  	[tilespmem:s2], [sflag:$0x1] =	stream.linear.gather [hbm4b:s3+s2], $0x10000, $0x38;
	[tilespmem:$0x11400] =	vst v63  }
0xe: {  	_ =	swait.ge [sflag:s7], $0x10000  }
0xf: {  	[sflag:s7] =	ssyncset.done $0x0  }
0x10: {  	[sflag:s7] =	ssyncadd.s32 $0xFFFF0000  }
0x11: {  	[tilespmem:s8], [sflag:$0x1] =	stream.linear.gather [hbm4b:s4+s2], $0x400, $0x38;
	[tilespmem:$0x11400] =	vst v63  }
0x12: {  	_ =	swait.ge [sflag:s7], $0x400  }
0x13: {  	[sflag:s7] =	ssyncset.done $0x0  }
0x14: {  	s13 =	simm.s32 $0x0;
	[sflag:s7] =	ssyncadd.s32 $0xFFFFFC00  }
.LBB2_2:
0x15: {  	p0 =	sne.s32 s13, $0x3FC0  }
.Ltmp0:
0x16: {  	_ = 	snop;
	(pc) =	sbr.rel @p0 .LBB2_2-.Ltmp0, $3  }
0x17: {  	_ =	sdelay $0x1  }
0x18: {  	s14 =	sshra.s32 s13, $0x2  }
0x19: {  	s13 =	sadd.s32 $0x40, s13;
	[tilespmem:s14+$0x10400] =	vst v0  }
0x1a: {  	s13 =	simm.s32 $0x0  }
0x1b: {  	v5 =	vmov s13;
	s13 =	simm.s32 $0x200  }
0x1c: {  	v24 =	vld [tilespmem:s13+$0xFFFFFE00]  }
0x1d: {  	v63 =	vld [tilespmem:s13+$0xFFFFFE40]  }
0x1e: {  	v25 =	vld [tilespmem:s13+$0xFFFFFE80]  }
0x1f: {  	v26 =	vld [tilespmem:s13+$0xFFFFFEC0]  }
0x20: {  	s14 =	simm.s32 $0xF;
	v5 =	vand.u32 $0xFFFFFFF0, v5;
	v27 =	vld [tilespmem:s13+$0xFFFFFF00]  }
0x21: {  	v6 =	vmov s14;
	v28 =	vld [tilespmem:s13+$0xFFFFFF40];
	v5 =	vbroadcast v5, $0x0  }
0x22: {  	v29 =	vld [tilespmem:s13+$0xFFFFFF80]  }
0x23: {  	v30 =	vld [tilespmem:s13+$0xFFFFFFC0]  }
0x24: {  	s15 =	simm.s32 $0x6;
	s16 =	simm.s32 $0x7;
	v32 =	vld [tilespmem:s13+$0x0]  }
0x25: {  	v12 =	vmov s15;
	v13 =	vmov s16;
	v33 =	vld [tilespmem:s13+$0x40]  }
0x26: {  	s17 =	simm.s32 $0xE;
	v12 =	vand.u32 $0xFFFFFFF6, v12;
	v20 =	vld.idx.msk [tilespmem:v6+s8+$0x0], $0xffff;
	v6 =	vand.u32 $0xFFFFFFF7, v13  }
0x27: {  	s28 =	simm.s32 $0x1;
	v6 =	vbroadcast v6, $0x0;
	v14 =	vld.idx.msk [tilespmem:v5+s8+$0x0], $0xffff;
	v5 =	vbroadcast v12, $0x0;
	v12 =	vmov s17  }
0x28: {  	s29 =	simm.s32 $0x2;
	v7 =	vmov s28;
	v34 =	vld [tilespmem:s13+$0x80];
	v12 =	vand.u32 $0xFFFFFFFE, v12  }
0x29: {  	s30 =	simm.s32 $0x3;
	v8 =	vmov s29;
	v7 =	vand.u32 $0xFFFFFFF1, v7;
	v35 =	vld [tilespmem:s13+$0xC0];
	v12 =	vbroadcast v12, $0x0  }
0x2a: {  	s22 =	simm.s32 $0xC;
	v9 =	vmov s30;
	v8 =	vand.u32 $0xFFFFFFF2, v8;
	v38 =	vld [tilespmem:s13+$0x100];
	v7 =	vbroadcast v7, $0x0  }
0x2b: {  	v18 =	vmov s22;
	v9 =	vand.u32 $0xFFFFFFF3, v9;
	v40 =	vld [tilespmem:s13+$0x140];
	v8 =	vbroadcast v8, $0x0  }
0x2c: {  	s21 =	simm.s32 $0xB;
	v59 =	vand.u32 $0xFFFFFFFC, v18;
	v42 =	vld [tilespmem:s13+$0x1C0];
	v9 =	vbroadcast v9, $0x0  }
0x2d: {  	s31 =	simm.s32 $0x4;
	v17 =	vmov s21;
	v21 =	vld.idx.msk [tilespmem:v6+s8+$0x0], $0xffff;
	v6 =	vbroadcast v59, $0x0  }
0x2e: {  	s19 =	simm.s32 $0x9;
	v10 =	vmov s31;
	v17 =	vand.u32 $0xFFFFFFFB, v17;
	v19 =	vld.idx.msk [tilespmem:v5+s8+$0x0], $0xffff  }
0x2f: {  	s23 =	simm.s32 $0xD;
	v15 =	vmov s19;
	v10 =	vand.u32 $0xFFFFFFF4, v10;
	v5 =	vbroadcast v17, $0x0;
	v12 =	vld.idx.msk [tilespmem:v12+s8+$0x0], $0xffff  }
0x30: {  	s20 =	simm.s32 $0xA;
	v60 =	vmov s23;
	v15 =	vand.u32 $0xFFFFFFF9, v15;
	v10 =	vbroadcast v10, $0x0;
	v7 =	vld.idx.msk [tilespmem:v7+s8+$0x0], $0xffff  }
0x31: {  	v16 =	vmov s20;
	v61 =	vand.u32 $0xFFFFFFFD, v60;
	v15 =	vbroadcast v15, $0x0;
	v8 =	vld.idx.msk [tilespmem:v8+s8+$0x0], $0xffff  }
0x32: {  	v16 =	vand.u32 $0xFFFFFFFA, v16;
	v9 =	vld.idx.msk [tilespmem:v9+s8+$0x0], $0xffff;
	v17 =	vbroadcast v61, $0x0  }
0x33: {  	s14 =	simm.s32 $0x5;
	v16 =	vbroadcast v16, $0x0;
	v22 =	vld.idx.msk [tilespmem:v6+s8+$0x0], $0xffff  }
0x34: {  	s18 =	simm.s32 $0x8;
	v11 =	vmov s14;
	v6 =	vld [tilespmem:s13+$0x180];
	v12 =	vshll.u32 v12, $0x6  }
0x35: {  	v11 =	vand.u32 $0xFFFFFFF5, v11;
	v13 =	vmov s18;
	v62 =	vld.idx.msk [tilespmem:v5+s8+$0x0], $0xffff;
	v5 =	vor.u32 v1, v12  }
0x36: {  	v11 =	vbroadcast v11, $0x0;
	v13 =	vand.u32 $0xFFFFFFF8, v13;
	v10 =	vld.idx.msk [tilespmem:v10+s8+$0x0], $0xffff  }
0x37: {  	v13 =	vbroadcast v13, $0x0;
	v15 =	vld.idx.msk [tilespmem:v15+s8+$0x0], $0xffff  }
0x38: {  	v14 =	vshll.u32 v14, $0x6;
	v23 =	vld.idx.msk [tilespmem:v17+s8+$0x0], $0xffff  }
0x39: {  	v16 =	vld.idx.msk [tilespmem:v16+s8+$0x0], $0xffff;
	v45 =	vor.u32 v1, v14  }
0x3a: {  	[tilespmem:v5+s9+$0x0] =	vst.idx.add.f32.msk $0xffff, v6  }
0x3b: {  	v6 =	vor.u32 v2, v12;
	v5 =	vld [tilespmem:s13+$0x190]  }
0x3c: {  	v11 =	vld.idx.msk [tilespmem:v11+s8+$0x0], $0xffff;
	v17 =	vshll.u32 v62, $0x6  }
0x3d: {  	v13 =	vld.idx.msk [tilespmem:v13+s8+$0x0], $0xffff;
	v18 =	vshll.u32 v23, $0x6;
	v43 =	vor.u32 v1, v17  }
0x3e: {  	[tilespmem:v45+s9+$0x0] =	vst.idx.add.f32.msk $0xffff, v24;
	v44 =	vor.u32 v1, v18  }
0x3f: {  	v62 =	vld [tilespmem:s13+$0xFFFFFE10]  }
0x40: {  	[tilespmem:v6+s9+$0x0] =	vst.idx.add.f32.msk $0xffff, v5  }
0x41: {  	v31 =	vor.u32 v3, v12;
	v5 =	vshll.u32 v7, $0x6;
	v6 =	vld [tilespmem:s13+$0x1A0]  }
0x42: {  	s20 =	simm.s32 $0x2C0;
	[tilespmem:v43+s9+$0x0] =	vst.idx.add.f32.msk $0xffff, v35;
	v7 =	vshll.u32 v9, $0x6;
	v36 =	vor.u32 v1, v5  }
0x43: {  	s21 =	simm.s32 $0x340;
	s30 =	sor.u32 $0x50, s20;
	[tilespmem:v44+s9+$0x0] =	vst.idx.add.f32.msk $0xffff, v40;
	v39 =	vor.u32 v1, v7  }
0x44: {  	s22 =	sor.u32 $0x50, s21;
	v57 =	vld [tilespmem:s30+$0x0]  }
0x45: {  	v61 =	vld [tilespmem:s22+$0x0]  }
0x46: {  	v9 =	vshll.u32 v11, $0x6;
	[tilespmem:v31+s9+$0x0] =	vst.idx.add.f32.msk $0xffff, v6  }
0x47: {  	v15 =	vshll.u32 v15, $0x6;
	[tilespmem:v36+s9+$0x0] =	vst.idx.add.f32.msk $0xffff, v63;
	v36 =	vor.u32 v1, v9  }
0x48: {  	s15 =	simm.s32 $0x40;
	[tilespmem:v39+s9+$0x0] =	vst.idx.add.f32.msk $0xffff, v26;
	v39 =	vor.u32 v1, v15  }
0x49: {  	s16 =	simm.s32 $0xC0;
	s24 =	sor.u32 $0x50, s15;
	v12 =	vor.u32 v4, v12;
	v6 =	vshll.u32 v8, $0x6;
	v31 =	vld [tilespmem:s13+$0x1B0]  }
0x4a: {  	s25 =	sor.u32 $0x50, s16;
	v8 =	vshll.u32 v10, $0x6;
	v37 =	vor.u32 v1, v6;
	v46 =	vld [tilespmem:s24+$0x0]  }
0x4b: {  	v10 =	vshll.u32 v19, $0x6;
	v41 =	vor.u32 v1, v8;
	v48 =	vld [tilespmem:s25+$0x0]  }
0x4c: {  	v19 =	vor.u32 v1, v10;
	[tilespmem:v36+s9+$0x0] =	vst.idx.add.f32.msk $0xffff, v28  }
0x4d: {  	[tilespmem:v39+s9+$0x0] =	vst.idx.add.f32.msk $0xffff, v33  }
0x4e: {  	[tilespmem:v12+s9+$0x0] =	vst.idx.add.f32.msk $0xffff, v31  }
0x4f: {  	v56 =	vor.u32 v2, v5;
	[tilespmem:v37+s9+$0x0] =	vst.idx.add.f32.msk $0xffff, v25  }
0x50: {  	s17 =	simm.s32 $0x140;
	v60 =	vor.u32 v2, v7;
	[tilespmem:v41+s9+$0x0] =	vst.idx.add.f32.msk $0xffff, v27  }
0x51: {  	s19 =	simm.s32 $0x240;
	s26 =	sor.u32 $0x50, s17;
	[tilespmem:v19+s9+$0x0] =	vst.idx.add.f32.msk $0xffff, v29  }
0x52: {  	s29 =	sor.u32 $0x50, s19;
	v50 =	vld [tilespmem:s26+$0x0]  }
0x53: {  	v54 =	vld [tilespmem:s29+$0x0]  }
0x54: {  	v11 =	vshll.u32 v21, $0x6;
	[tilespmem:v56+s9+$0x0] =	vst.idx.add.f32.msk $0xffff, v46  }
0x55: {  	v13 =	vshll.u32 v13, $0x6;
	v12 =	vor.u32 v1, v11;
	[tilespmem:v60+s9+$0x0] =	vst.idx.add.f32.msk $0xffff, v48  }
0x56: {  	v16 =	vshll.u32 v16, $0x6;
	v37 =	vor.u32 v1, v13;
	v47 =	vld [tilespmem:s13+$0xFFFFFE90]  }
0x57: {  	v41 =	vor.u32 v1, v16;
	v19 =	vshll.u32 v22, $0x6;
	v49 =	vld [tilespmem:s13+$0xFFFFFF10]  }
0x58: {  	s24 =	sor.u32 $0x60, s16;
	v22 =	vor.u32 v1, v19;
	v51 =	vld [tilespmem:s13+$0xFFFFFF90]  }
0x59: {  	v56 =	vld [tilespmem:s24+$0x0]  }
0x5a: {  	[tilespmem:v12+s9+$0x0] =	vst.idx.add.f32.msk $0xffff, v30  }
0x5b: {  	[tilespmem:v37+s9+$0x0] =	vst.idx.add.f32.msk $0xffff, v32  }
0x5c: {  	s18 =	simm.s32 $0x1C0;
	v58 =	vor.u32 v2, v6;
	[tilespmem:v41+s9+$0x0] =	vst.idx.add.f32.msk $0xffff, v34  }
0x5d: {  	s28 =	sor.u32 $0x50, s18;
	v63 =	vor.u32 v2, v8;
	[tilespmem:v22+s9+$0x0] =	vst.idx.add.f32.msk $0xffff, v38  }
0x5e: {  	v44 =	vor.u32 v2, v10;
	v52 =	vld [tilespmem:s28+$0x0]  }
0x5f: {  	v12 =	vshll.u32 v20, $0x6;
	v53 =	vld [tilespmem:s13+$0x10]  }
0x60: {  	v20 =	vor.u32 v1, v12;
	v55 =	vld [tilespmem:s13+$0x90]  }
0x61: {  	v45 =	vor.u32 v2, v11;
	[tilespmem:v58+s9+$0x0] =	vst.idx.add.f32.msk $0xffff, v47  }
0x62: {  	v46 =	vor.u32 v2, v13;
	[tilespmem:v63+s9+$0x0] =	vst.idx.add.f32.msk $0xffff, v49  }
0x63: {  	v47 =	vor.u32 v2, v15;
	[tilespmem:v44+s9+$0x0] =	vst.idx.add.f32.msk $0xffff, v51  }
0x64: {  	v48 =	vor.u32 v2, v16;
	v59 =	vld [tilespmem:s13+$0x110]  }
0x65: {  	v49 =	vor.u32 v2, v17;
	[tilespmem:v20+s9+$0x0] =	vst.idx.add.f32.msk $0xffff, v42  }
0x66: {  	v51 =	vor.u32 v2, v18;
	[tilespmem:v45+s9+$0x0] =	vst.idx.add.f32.msk $0xffff, v52  }
0x67: {  	[tilespmem:v46+s9+$0x0] =	vst.idx.add.f32.msk $0xffff, v53  }
0x68: {  	[tilespmem:v47+s9+$0x0] =	vst.idx.add.f32.msk $0xffff, v54  }
0x69: {  	[tilespmem:v48+s9+$0x0] =	vst.idx.add.f32.msk $0xffff, v55  }
0x6a: {  	[tilespmem:v49+s9+$0x0] =	vst.idx.add.f32.msk $0xffff, v57  }
0x6b: {  	s23 =	sor.u32 $0x60, s15;
	[tilespmem:v51+s9+$0x0] =	vst.idx.add.f32.msk $0xffff, v61  }
0x6c: {  	v54 =	vld [tilespmem:s23+$0x0]  }
0x6d: {  	s14 =	simm.s32 $0x3C0;
	v55 =	vld [tilespmem:s13+$0xFFFFFEA0]  }
0x6e: {  	s31 =	sor.u32 $0x50, s14;
	v57 =	vld [tilespmem:s13+$0xFFFFFF20]  }
0x6f: {  	s26 =	sor.u32 $0x60, s18;
	v43 =	vld [tilespmem:s31+$0x0]  }
0x70: {  	v26 =	vld [tilespmem:s26+$0x0]  }
0x71: {  	s28 =	sor.u32 $0x60, s19;
	v42 =	vor.u32 v2, v9;
	v27 =	vld [tilespmem:s13+$0x20]  }
0x72: {  	v52 =	vor.u32 v2, v14;
	v28 =	vld [tilespmem:s28+$0x0]  }
0x73: {  	s29 =	sor.u32 $0x60, s20;
	v60 =	vor.u32 v3, v5;
	v29 =	vld [tilespmem:s13+$0xA0]  }
0x74: {  	s30 =	sor.u32 $0x60, s21;
	v61 =	vor.u32 v3, v6;
	v31 =	vld [tilespmem:s29+$0x0]  }
0x75: {  	v63 =	vor.u32 v3, v8;
	v35 =	vld [tilespmem:s30+$0x0]  }
0x76: {  	v53 =	vor.u32 v2, v12;
	[tilespmem:v42+s9+$0x0] =	vst.idx.add.f32.msk $0xffff, v50  }
0x77: {  	[tilespmem:v52+s9+$0x0] =	vst.idx.add.f32.msk $0xffff, v62  }
0x78: {  	[tilespmem:v60+s9+$0x0] =	vst.idx.add.f32.msk $0xffff, v54  }
0x79: {  	v44 =	vor.u32 v3, v11;
	[tilespmem:v61+s9+$0x0] =	vst.idx.add.f32.msk $0xffff, v55  }
0x7a: {  	v45 =	vor.u32 v3, v13;
	[tilespmem:v63+s9+$0x0] =	vst.idx.add.f32.msk $0xffff, v57  }
0x7b: {  	s25 =	sor.u32 $0x60, s17;
	v46 =	vor.u32 v3, v15;
	[tilespmem:v53+s9+$0x0] =	vst.idx.add.f32.msk $0xffff, v43  }
0x7c: {  	v47 =	vor.u32 v3, v16;
	v58 =	vld [tilespmem:s25+$0x0]  }
0x7d: {  	v48 =	vor.u32 v3, v17;
	v36 =	vld [tilespmem:s13+$0xFFFFFE20]  }
0x7e: {  	[tilespmem:v44+s9+$0x0] =	vst.idx.add.f32.msk $0xffff, v26  }
0x7f: {  	[tilespmem:v45+s9+$0x0] =	vst.idx.add.f32.msk $0xffff, v27  }
0x80: {  	[tilespmem:v46+s9+$0x0] =	vst.idx.add.f32.msk $0xffff, v28  }
0x81: {  	[tilespmem:v47+s9+$0x0] =	vst.idx.add.f32.msk $0xffff, v29  }
0x82: {  	s15 =	sor.u32 $0x70, s15;
	[tilespmem:v48+s9+$0x0] =	vst.idx.add.f32.msk $0xffff, v31  }
0x83: {  	v53 =	vld [tilespmem:s15+$0x0]  }
0x84: {  	s31 =	sor.u32 $0x60, s14;
	v54 =	vld [tilespmem:s13+$0xFFFFFEB0]  }
0x85: {  	s18 =	sor.u32 $0x70, s18;
	v50 =	vor.u32 v2, v19;
	v39 =	vld [tilespmem:s31+$0x0]  }
0x86: {  	v26 =	vld [tilespmem:s18+$0x0]  }
0x87: {  	s19 =	sor.u32 $0x70, s19;
	v62 =	vor.u32 v3, v7;
	v27 =	vld [tilespmem:s13+$0x30]  }
0x88: {  	v28 =	vld [tilespmem:s19+$0x0]  }
0x89: {  	v29 =	vld [tilespmem:s13+$0xB0]  }
0x8a: {  	v42 =	vor.u32 v3, v9;
	[tilespmem:v50+s9+$0x0] =	vst.idx.add.f32.msk $0xffff, v59  }
0x8b: {  	v51 =	vor.u32 v3, v14;
	v59 =	vld [tilespmem:s13+$0xFFFFFFA0]  }
0x8c: {  	[tilespmem:v62+s9+$0x0] =	vst.idx.add.f32.msk $0xffff, v56  }
0x8d: {  	v5 =	vor.u32 v4, v5;
	v56 =	vld [tilespmem:s13+$0xFFFFFF30]  }
0x8e: {  	v6 =	vor.u32 v4, v6;
	v33 =	vld [tilespmem:s13+$0x120]  }
0x8f: {  	v52 =	vor.u32 v3, v12;
	[tilespmem:v42+s9+$0x0] =	vst.idx.add.f32.msk $0xffff, v58  }
0x90: {  	s16 =	sor.u32 $0x70, s16;
	[tilespmem:v51+s9+$0x0] =	vst.idx.add.f32.msk $0xffff, v36  }
0x91: {  	v55 =	vld [tilespmem:s16+$0x0]  }
0x92: {  	[tilespmem:v5+s9+$0x0] =	vst.idx.add.f32.msk $0xffff, v53  }
0x93: {  	v43 =	vor.u32 v3, v10;
	[tilespmem:v6+s9+$0x0] =	vst.idx.add.f32.msk $0xffff, v54  }
0x94: {  	s17 =	sor.u32 $0x70, s17;
	v50 =	vor.u32 v3, v18;
	[tilespmem:v52+s9+$0x0] =	vst.idx.add.f32.msk $0xffff, v39  }
0x95: {  	v57 =	vld [tilespmem:s17+$0x0]  }
0x96: {  	s22 =	sor.u32 $0x70, s14;
	v8 =	vor.u32 v4, v8;
	v62 =	vld [tilespmem:s13+$0xFFFFFE30]  }
0x97: {  	v49 =	vor.u32 v3, v19;
	v63 =	vld [tilespmem:s22+$0x0]  }
0x98: {  	[tilespmem:v43+s9+$0x0] =	vst.idx.add.f32.msk $0xffff, v59  }
0x99: {  	s20 =	sor.u32 $0x70, s20;
	[tilespmem:v50+s9+$0x0] =	vst.idx.add.f32.msk $0xffff, v35  }
0x9a: {  	v7 =	vor.u32 v4, v7;
	v59 =	vld [tilespmem:s20+$0x0]  }
0x9b: {  	v6 =	vor.u32 v4, v11;
	[tilespmem:v8+s9+$0x0] =	vst.idx.add.f32.msk $0xffff, v56  }
0x9c: {  	[tilespmem:v49+s9+$0x0] =	vst.idx.add.f32.msk $0xffff, v33  }
0x9d: {  	s21 =	sor.u32 $0x70, s21;
	v9 =	vor.u32 v4, v9;
	v58 =	vld [tilespmem:s13+$0xFFFFFFB0]  }
0x9e: {  	v5 =	vor.u32 v4, v10;
	v61 =	vld [tilespmem:s21+$0x0]  }
0x9f: {  	v12 =	vor.u32 v4, v12;
	[tilespmem:v7+s9+$0x0] =	vst.idx.add.f32.msk $0xffff, v55  }
0xa0: {  	v8 =	vor.u32 v4, v15;
	[tilespmem:v6+s9+$0x0] =	vst.idx.add.f32.msk $0xffff, v26  }
0xa1: {  	v7 =	vor.u32 v4, v13;
	v60 =	vld [tilespmem:s13+$0x130]  }
0xa2: {  	[tilespmem:v9+s9+$0x0] =	vst.idx.add.f32.msk $0xffff, v57;
	v9 =	vor.u32 v4, v16  }
0xa3: {  	[tilespmem:v5+s9+$0x0] =	vst.idx.add.f32.msk $0xffff, v58;
	v5 =	vor.u32 v4, v17  }
0xa4: {  	s23 =	simm.s32 $0x1F;
	s15 =	simm.s32 $0x10;
	v10 =	vor.u32 v4, v19;
	[tilespmem:v12+s9+$0x0] =	vst.idx.add.f32.msk $0xffff, v63  }
0xa5: {  	s24 =	simm.s32 $0x11;
	v11 =	vor.u32 v4, v18;
	v15 =	vmov s23;
	v6 =	vmov s15;
	[tilespmem:v8+s9+$0x0] =	vst.idx.add.f32.msk $0xffff, v28  }
0xa6: {  	s25 =	simm.s32 $0x12;
	v13 =	vor.u32 v4, v14;
	v6 =	vand.u32 $0xFFFFFFF0, v6;
	[tilespmem:v7+s9+$0x0] =	vst.idx.add.f32.msk $0xffff, v27;
	v7 =	vmov s24  }
0xa7: {  	s26 =	simm.s32 $0x13;
	v6 =	vbroadcast v6, $0x0;
	v8 =	vmov s25;
	[tilespmem:v9+s9+$0x0] =	vst.idx.add.f32.msk $0xffff, v29;
	v7 =	vand.u32 $0xFFFFFFF1, v7  }
0xa8: {  	s28 =	simm.s32 $0x14;
	v9 =	vmov s26;
	v7 =	vbroadcast v7, $0x0;
	[tilespmem:v5+s9+$0x0] =	vst.idx.add.f32.msk $0xffff, v59;
	v5 =	vand.u32 $0xFFFFFFF2, v8  }
0xa9: {  	s29 =	simm.s32 $0x15;
	[tilespmem:v10+s9+$0x0] =	vst.idx.add.f32.msk $0xffff, v60;
	v10 =	vmov s28;
	v8 =	vbroadcast v5, $0x0;
	v5 =	vand.u32 $0xFFFFFFF3, v9  }
0xaa: {  	s30 =	simm.s32 $0x16;
	[tilespmem:v11+s9+$0x0] =	vst.idx.add.f32.msk $0xffff, v61;
	v11 =	vmov s29;
	v9 =	vbroadcast v5, $0x0;
	v5 =	vand.u32 $0xFFFFFFF4, v10  }
0xab: {  	s31 =	simm.s32 $0x17;
	[tilespmem:v13+s9+$0x0] =	vst.idx.add.f32.msk $0xffff, v62;
	v13 =	vmov s30;
	v10 =	vbroadcast v5, $0x0;
	v5 =	vand.u32 $0xFFFFFFF5, v11  }
0xac: {  	s16 =	simm.s32 $0x20;
	s17 =	simm.s32 $0x1E;
	v12 =	vand.u32 $0xFFFFFFF6, v13;
	v13 =	vmov s31;
	v11 =	vbroadcast v5, $0x0;
	v5 =	vld.idx.msk [tilespmem:v15+s8+$0x0], $0xffff  }
.LBB2_4:
0xad: {  	p0 =	slt.u32 s16, $0x3F0;
	v14 =	vld.idx.msk [tilespmem:v6+s8+$0x0], $0xffff;
	v6 =	vbroadcast v12, $0x0;
	v12 =	vand.u32 $0xFFFFFFF7, v13;
	s18 =	sadd.s32 $0x8, s15;
	v13 =	vmov s17  }
0xae: {  	s17 =	sadd.s32 $0x9, s15;
	v7 =	vld.idx.msk [tilespmem:v7+s8+$0x0], $0xffff;
	v12 =	vbroadcast v12, $0x0;
	v15 =	vmov s18;
	v13 =	vand.u32 $0xFFFFFFFE, v13  }
0xaf: {  	v16 =	vmov s17;
	s17 =	sadd.s32 $0xA, s15;
	v8 =	vld.idx.msk [tilespmem:v8+s8+$0x0], $0xffff;
	v15 =	vand.u32 $0xFFFFFFF8, v15;
	v13 =	vbroadcast v13, $0x0  }
0xb0: {  	v16 =	vand.u32 $0xFFFFFFF9, v16;
	v17 =	vmov s17;
	s17 =	sadd.s32 $0xB, s15;
	v9 =	vld.idx.msk [tilespmem:v9+s8+$0x0], $0xffff;
	v15 =	vbroadcast v15, $0x0  }
0xb1: {  	v16 =	vbroadcast v16, $0x0;
	v17 =	vand.u32 $0xFFFFFFFA, v17;
	v18 =	vmov s17;
	s17 =	sadd.s32 $0xC, s15;
	v10 =	vld.idx.msk [tilespmem:v10+s8+$0x0], $0xffff  }
0xb2: {  	v17 =	vbroadcast v17, $0x0;
	v18 =	vand.u32 $0xFFFFFFFB, v18;
	v19 =	vmov s17;
	s17 =	sadd.s32 $0xD, s15;
	s15 =	smov.u32 s16;
	v11 =	vld.idx.msk [tilespmem:v11+s8+$0x0], $0xffff  }
0xb3: {  	v20 =	vld.idx.msk [tilespmem:v6+s8+$0x0], $0xffff;
	v6 =	vbroadcast v18, $0x0;
	v18 =	vand.u32 $0xFFFFFFFC, v19;
	v19 =	vmov s17  }
0xb4: {  	v12 =	vld.idx.msk [tilespmem:v12+s8+$0x0], $0xffff;
	v18 =	vbroadcast v18, $0x0;
	v19 =	vand.u32 $0xFFFFFFFD, v19  }
0xb5: {  	v19 =	vbroadcast v19, $0x0;
	v13 =	vld.idx.msk [tilespmem:v13+s8+$0x0], $0xffff  }
0xb6: {  	v15 =	vld.idx.msk [tilespmem:v15+s8+$0x0], $0xffff  }
0xb7: {  	v16 =	vld.idx.msk [tilespmem:v16+s8+$0x0], $0xffff  }
0xb8: {  	v17 =	vld.idx.msk [tilespmem:v17+s8+$0x0], $0xffff  }
0xb9: {  	v21 =	vld.idx.msk [tilespmem:v6+s8+$0x0], $0xffff  }
0xba: {  	v18 =	vld.idx.msk [tilespmem:v18+s8+$0x0], $0xffff  }
0xbb: {  	s13 =	sadd.s32 $0x400, s13;
	v13 =	vshll.u32 v13, $0x6;
	v19 =	vld.idx.msk [tilespmem:v19+s8+$0x0], $0xffff  }
0xbc: {  	v6 =	vor.u32 v1, v13;
	v22 =	vld [tilespmem:s13+$0x180]  }
0xbd: {  	v23 =	vld [tilespmem:s13+$0xFFFFFE00]  }
0xbe: {  	v24 =	vld [tilespmem:s13+$0xFFFFFE40]  }
0xbf: {  	v25 =	vld [tilespmem:s13+$0xFFFFFE80]  }
0xc0: {  	v26 =	vld [tilespmem:s13+$0xFFFFFEC0]  }
0xc1: {  	[tilespmem:v6+s9+$0x0] =	vst.idx.add.f32.msk $0xffff, v22  }
0xc2: {  	v22 =	vor.u32 v2, v13;
	v6 =	vld [tilespmem:s13+$0x190]  }
0xc3: {  	v27 =	vld [tilespmem:s13+$0xFFFFFF00]  }
0xc4: {  	v28 =	vld [tilespmem:s13+$0xFFFFFF40]  }
0xc5: {  	v29 =	vld [tilespmem:s13+$0xFFFFFF80]  }
0xc6: {  	v30 =	vld [tilespmem:s13+$0xFFFFFFC0]  }
0xc7: {  	[tilespmem:v22+s9+$0x0] =	vst.idx.add.f32.msk $0xffff, v6  }
0xc8: {  	v31 =	vor.u32 v3, v13;
	v22 =	vld [tilespmem:s13+$0x1A0]  }
0xc9: {  	v32 =	vld [tilespmem:s13+$0x0]  }
0xca: {  	v33 =	vld [tilespmem:s13+$0x40]  }
0xcb: {  	v34 =	vld [tilespmem:s13+$0x80]  }
0xcc: {  	v6 =	vshll.u32 v7, $0x6;
	v35 =	vld [tilespmem:s13+$0xC0]  }
0xcd: {  	v36 =	vor.u32 v1, v6;
	[tilespmem:v31+s9+$0x0] =	vst.idx.add.f32.msk $0xffff, v22  }
0xce: {  	v13 =	vor.u32 v4, v13;
	v7 =	vshll.u32 v8, $0x6;
	v22 =	vld [tilespmem:s13+$0x1B0]  }
0xcf: {  	v8 =	vshll.u32 v9, $0x6;
	v31 =	vor.u32 v1, v7;
	v37 =	vld [tilespmem:s13+$0x100]  }
0xd0: {  	v9 =	vshll.u32 v10, $0x6;
	v38 =	vor.u32 v1, v8;
	v39 =	vld [tilespmem:s13+$0x140]  }
0xd1: {  	v10 =	vshll.u32 v11, $0x6;
	v40 =	vor.u32 v1, v9;
	v41 =	vld [tilespmem:s13+$0x1C0]  }
0xd2: {  	v11 =	vshll.u32 v20, $0x6;
	[tilespmem:v36+s9+$0x0] =	vst.idx.add.f32.msk $0xffff, v24;
	v24 =	vor.u32 v1, v10  }
0xd3: {  	v12 =	vshll.u32 v12, $0x6;
	v20 =	vor.u32 v1, v11;
	[tilespmem:v13+s9+$0x0] =	vst.idx.add.f32.msk $0xffff, v22  }
0xd4: {  	v22 =	vor.u32 v1, v12;
	v13 =	vshll.u32 v15, $0x6;
	[tilespmem:v31+s9+$0x0] =	vst.idx.add.f32.msk $0xffff, v25  }
0xd5: {  	v15 =	vshll.u32 v16, $0x6;
	v25 =	vor.u32 v1, v13;
	[tilespmem:v38+s9+$0x0] =	vst.idx.add.f32.msk $0xffff, v26  }
0xd6: {  	v16 =	vshll.u32 v17, $0x6;
	v26 =	vor.u32 v1, v15;
	[tilespmem:v40+s9+$0x0] =	vst.idx.add.f32.msk $0xffff, v27  }
0xd7: {  	v17 =	vshll.u32 v21, $0x6;
	[tilespmem:v24+s9+$0x0] =	vst.idx.add.f32.msk $0xffff, v28;
	v24 =	vor.u32 v1, v16  }
0xd8: {  	v18 =	vshll.u32 v18, $0x6;
	[tilespmem:v20+s9+$0x0] =	vst.idx.add.f32.msk $0xffff, v29;
	v20 =	vor.u32 v1, v17  }
0xd9: {  	v19 =	vshll.u32 v19, $0x6;
	v21 =	vor.u32 v1, v18;
	[tilespmem:v22+s9+$0x0] =	vst.idx.add.f32.msk $0xffff, v30  }
0xda: {  	v14 =	vshll.u32 v14, $0x6;
	v22 =	vor.u32 v1, v19;
	[tilespmem:v25+s9+$0x0] =	vst.idx.add.f32.msk $0xffff, v32  }
0xdb: {  	v5 =	vshll.u32 v5, $0x6;
	v25 =	vor.u32 v1, v14;
	[tilespmem:v26+s9+$0x0] =	vst.idx.add.f32.msk $0xffff, v33  }
0xdc: {  	[tilespmem:v24+s9+$0x0] =	vst.idx.add.f32.msk $0xffff, v34;
	v24 =	vor.u32 v1, v5  }
0xdd: {  	[tilespmem:v20+s9+$0x0] =	vst.idx.add.f32.msk $0xffff, v35  }
0xde: {  	[tilespmem:v21+s9+$0x0] =	vst.idx.add.f32.msk $0xffff, v37  }
0xdf: {  	s14 =	sadd.s32 $0x400, s14;
	[tilespmem:v22+s9+$0x0] =	vst.idx.add.f32.msk $0xffff, v39  }
0xe0: {  	s17 =	sadd.s32 $0xFFFFFC80, s14;
	[tilespmem:v25+s9+$0x0] =	vst.idx.add.f32.msk $0xffff, v23  }
0xe1: {  	s18 =	sor.u32 $0x50, s17;
	[tilespmem:v24+s9+$0x0] =	vst.idx.add.f32.msk $0xffff, v41  }
0xe2: {  	v20 =	vld [tilespmem:s18+$0x0];
	s18 =	sadd.s32 $0xFFFFFD00, s14  }
0xe3: {  	v21 =	vld [tilespmem:s13+$0xFFFFFE90];
	s19 =	sor.u32 $0x50, s18  }
0xe4: {  	v22 =	vld [tilespmem:s19+$0x0];
	s19 =	sadd.s32 $0xFFFFFD80, s14  }
0xe5: {  	v23 =	vld [tilespmem:s13+$0xFFFFFF10];
	s20 =	sor.u32 $0x50, s19  }
0xe6: {  	v24 =	vld [tilespmem:s20+$0x0];
	s20 =	sadd.s32 $0xFFFFFE00, s14  }
0xe7: {  	v25 =	vld [tilespmem:s13+$0xFFFFFF90];
	s21 =	sor.u32 $0x50, s20  }
0xe8: {  	v26 =	vld [tilespmem:s21+$0x0];
	s21 =	sadd.s32 $0xFFFFFE80, s14  }
0xe9: {  	v27 =	vld [tilespmem:s13+$0x10];
	s22 =	sor.u32 $0x50, s21  }
0xea: {  	v28 =	vld [tilespmem:s22+$0x0];
	s22 =	sadd.s32 $0xFFFFFF00, s14  }
0xeb: {  	v29 =	vld [tilespmem:s13+$0x90];
	s23 =	sor.u32 $0x50, s22  }
0xec: {  	v30 =	vor.u32 v2, v6;
	v31 =	vld [tilespmem:s23+$0x0];
	s23 =	sadd.s32 $0xFFFFFF80, s14  }
0xed: {  	v32 =	vor.u32 v2, v7;
	v33 =	vld [tilespmem:s13+$0x110];
	s24 =	sor.u32 $0x50, s23  }
0xee: {  	v34 =	vor.u32 v2, v8;
	v35 =	vld [tilespmem:s24+$0x0]  }
0xef: {  	v37 =	vor.u32 v2, v9;
	s24 =	sor.u32 $0x50, s14;
	v36 =	vld [tilespmem:s13+$0xFFFFFE10]  }
0xf0: {  	v38 =	vor.u32 v2, v10;
	v39 =	vld [tilespmem:s24+$0x0]  }
0xf1: {  	[tilespmem:v30+s9+$0x0] =	vst.idx.add.f32.msk $0xffff, v20;
	v20 =	vor.u32 v2, v11  }
0xf2: {  	[tilespmem:v32+s9+$0x0] =	vst.idx.add.f32.msk $0xffff, v21;
	v21 =	vor.u32 v2, v12  }
0xf3: {  	[tilespmem:v34+s9+$0x0] =	vst.idx.add.f32.msk $0xffff, v22;
	v22 =	vor.u32 v2, v13  }
0xf4: {  	[tilespmem:v37+s9+$0x0] =	vst.idx.add.f32.msk $0xffff, v23;
	v23 =	vor.u32 v2, v15  }
0xf5: {  	[tilespmem:v38+s9+$0x0] =	vst.idx.add.f32.msk $0xffff, v24;
	v24 =	vor.u32 v2, v16  }
0xf6: {  	[tilespmem:v20+s9+$0x0] =	vst.idx.add.f32.msk $0xffff, v25;
	v20 =	vor.u32 v2, v17  }
0xf7: {  	[tilespmem:v21+s9+$0x0] =	vst.idx.add.f32.msk $0xffff, v26;
	v21 =	vor.u32 v2, v18  }
0xf8: {  	[tilespmem:v22+s9+$0x0] =	vst.idx.add.f32.msk $0xffff, v27;
	v22 =	vor.u32 v2, v19  }
0xf9: {  	v25 =	vor.u32 v2, v14;
	[tilespmem:v23+s9+$0x0] =	vst.idx.add.f32.msk $0xffff, v28  }
0xfa: {  	v23 =	vor.u32 v2, v5;
	[tilespmem:v24+s9+$0x0] =	vst.idx.add.f32.msk $0xffff, v29  }
0xfb: {  	[tilespmem:v20+s9+$0x0] =	vst.idx.add.f32.msk $0xffff, v31  }
0xfc: {  	[tilespmem:v21+s9+$0x0] =	vst.idx.add.f32.msk $0xffff, v33  }
0xfd: {  	[tilespmem:v22+s9+$0x0] =	vst.idx.add.f32.msk $0xffff, v35  }
0xfe: {  	[tilespmem:v25+s9+$0x0] =	vst.idx.add.f32.msk $0xffff, v36  }
0xff: {  	s24 =	sor.u32 $0x60, s17;
	[tilespmem:v23+s9+$0x0] =	vst.idx.add.f32.msk $0xffff, v39  }
0x100: {  	v20 =	vld [tilespmem:s24+$0x0]  }
0x101: {  	s24 =	sor.u32 $0x60, s18;
	v21 =	vld [tilespmem:s13+$0xFFFFFEA0]  }
0x102: {  	v22 =	vld [tilespmem:s24+$0x0]  }
0x103: {  	s24 =	sor.u32 $0x60, s19;
	v23 =	vld [tilespmem:s13+$0xFFFFFF20]  }
0x104: {  	v24 =	vld [tilespmem:s24+$0x0]  }
0x105: {  	s24 =	sor.u32 $0x60, s20;
	v25 =	vld [tilespmem:s13+$0xFFFFFFA0]  }
0x106: {  	v26 =	vld [tilespmem:s24+$0x0]  }
0x107: {  	s24 =	sor.u32 $0x60, s21;
	v27 =	vld [tilespmem:s13+$0x20]  }
0x108: {  	v28 =	vld [tilespmem:s24+$0x0]  }
0x109: {  	s24 =	sor.u32 $0x60, s22;
	v29 =	vld [tilespmem:s13+$0xA0]  }
0x10a: {  	v30 =	vor.u32 v3, v6;
	v31 =	vld [tilespmem:s24+$0x0]  }
0x10b: {  	v32 =	vor.u32 v3, v7;
	s24 =	sor.u32 $0x60, s23;
	v33 =	vld [tilespmem:s13+$0x120]  }
0x10c: {  	v34 =	vor.u32 v3, v8;
	v35 =	vld [tilespmem:s24+$0x0]  }
0x10d: {  	v37 =	vor.u32 v3, v9;
	s24 =	sor.u32 $0x60, s14;
	v36 =	vld [tilespmem:s13+$0xFFFFFE20]  }
0x10e: {  	v38 =	vor.u32 v3, v10;
	v39 =	vld [tilespmem:s24+$0x0]  }
0x10f: {  	[tilespmem:v30+s9+$0x0] =	vst.idx.add.f32.msk $0xffff, v20;
	v20 =	vor.u32 v3, v11  }
0x110: {  	[tilespmem:v32+s9+$0x0] =	vst.idx.add.f32.msk $0xffff, v21;
	v21 =	vor.u32 v3, v12  }
0x111: {  	[tilespmem:v34+s9+$0x0] =	vst.idx.add.f32.msk $0xffff, v22;
	v22 =	vor.u32 v3, v13  }
0x112: {  	[tilespmem:v37+s9+$0x0] =	vst.idx.add.f32.msk $0xffff, v23;
	v23 =	vor.u32 v3, v15  }
0x113: {  	[tilespmem:v38+s9+$0x0] =	vst.idx.add.f32.msk $0xffff, v24;
	v24 =	vor.u32 v3, v16  }
0x114: {  	[tilespmem:v20+s9+$0x0] =	vst.idx.add.f32.msk $0xffff, v25;
	v20 =	vor.u32 v3, v17  }
0x115: {  	[tilespmem:v21+s9+$0x0] =	vst.idx.add.f32.msk $0xffff, v26;
	v21 =	vor.u32 v3, v18  }
0x116: {  	[tilespmem:v22+s9+$0x0] =	vst.idx.add.f32.msk $0xffff, v27;
	v22 =	vor.u32 v3, v19  }
0x117: {  	v25 =	vor.u32 v3, v14;
	[tilespmem:v23+s9+$0x0] =	vst.idx.add.f32.msk $0xffff, v28  }
0x118: {  	v23 =	vor.u32 v3, v5;
	[tilespmem:v24+s9+$0x0] =	vst.idx.add.f32.msk $0xffff, v29  }
0x119: {  	[tilespmem:v20+s9+$0x0] =	vst.idx.add.f32.msk $0xffff, v31  }
0x11a: {  	[tilespmem:v21+s9+$0x0] =	vst.idx.add.f32.msk $0xffff, v33  }
0x11b: {  	[tilespmem:v22+s9+$0x0] =	vst.idx.add.f32.msk $0xffff, v35  }
0x11c: {  	[tilespmem:v25+s9+$0x0] =	vst.idx.add.f32.msk $0xffff, v36  }
0x11d: {  	s17 =	sor.u32 $0x70, s17;
	[tilespmem:v23+s9+$0x0] =	vst.idx.add.f32.msk $0xffff, v39  }
0x11e: {  	v20 =	vld [tilespmem:s17+$0x0]  }
0x11f: {  	s17 =	sor.u32 $0x70, s18;
	v21 =	vld [tilespmem:s13+$0xFFFFFEB0]  }
0x120: {  	v22 =	vld [tilespmem:s17+$0x0]  }
0x121: {  	s17 =	sor.u32 $0x70, s19;
	v23 =	vld [tilespmem:s13+$0xFFFFFF30]  }
0x122: {  	v24 =	vld [tilespmem:s17+$0x0]  }
0x123: {  	s17 =	sor.u32 $0x70, s20;
	v25 =	vld [tilespmem:s13+$0xFFFFFFB0]  }
0x124: {  	v26 =	vld [tilespmem:s17+$0x0]  }
0x125: {  	s17 =	sor.u32 $0x70, s21;
	v27 =	vld [tilespmem:s13+$0x30]  }
0x126: {  	v28 =	vld [tilespmem:s17+$0x0]  }
0x127: {  	s17 =	sor.u32 $0x70, s22;
	v29 =	vld [tilespmem:s13+$0xB0]  }
0x128: {  	v6 =	vor.u32 v4, v6;
	v30 =	vld [tilespmem:s17+$0x0]  }
0x129: {  	v7 =	vor.u32 v4, v7;
	s17 =	sor.u32 $0x70, s23;
	v31 =	vld [tilespmem:s13+$0x130]  }
0x12a: {  	v8 =	vor.u32 v4, v8;
	v32 =	vld [tilespmem:s17+$0x0]  }
0x12b: {  	v9 =	vor.u32 v4, v9;
	s17 =	sor.u32 $0x70, s14;
	v33 =	vld [tilespmem:s13+$0xFFFFFE30]  }
0x12c: {  	v10 =	vor.u32 v4, v10;
	v34 =	vld [tilespmem:s17+$0x0]  }
0x12d: {  	[tilespmem:v6+s9+$0x0] =	vst.idx.add.f32.msk $0xffff, v20;
	v6 =	vor.u32 v4, v11  }
0x12e: {  	[tilespmem:v7+s9+$0x0] =	vst.idx.add.f32.msk $0xffff, v21;
	v7 =	vor.u32 v4, v12  }
0x12f: {  	[tilespmem:v8+s9+$0x0] =	vst.idx.add.f32.msk $0xffff, v22;
	v8 =	vor.u32 v4, v13  }
0x130: {  	[tilespmem:v9+s9+$0x0] =	vst.idx.add.f32.msk $0xffff, v23;
	v9 =	vor.u32 v4, v15  }
0x131: {  	[tilespmem:v10+s9+$0x0] =	vst.idx.add.f32.msk $0xffff, v24;
	v10 =	vor.u32 v4, v16  }
0x132: {  	v11 =	vor.u32 v4, v17;
	[tilespmem:v6+s9+$0x0] =	vst.idx.add.f32.msk $0xffff, v25  }
0x133: {  	v12 =	vor.u32 v4, v18;
	[tilespmem:v7+s9+$0x0] =	vst.idx.add.f32.msk $0xffff, v26  }
0x134: {  	s17 =	sadd.s32 $0xF, s16;
	v13 =	vor.u32 v4, v19;
	[tilespmem:v8+s9+$0x0] =	vst.idx.add.f32.msk $0xffff, v27  }
0x135: {  	v14 =	vor.u32 v4, v14;
	s18 =	sadd.s32 $0x1, s16;
	v15 =	vmov s17;
	v6 =	vmov s16;
	[tilespmem:v9+s9+$0x0] =	vst.idx.add.f32.msk $0xffff, v28  }
0x136: {  	v5 =	vor.u32 v4, v5;
	s17 =	sadd.s32 $0x2, s16;
	v6 =	vand.u32 $0xFFFFFFF0, v6;
	v7 =	vmov s18;
	[tilespmem:v10+s9+$0x0] =	vst.idx.add.f32.msk $0xffff, v29  }
0x137: {  	v6 =	vbroadcast v6, $0x0;
	v7 =	vand.u32 $0xFFFFFFF1, v7;
	v8 =	vmov s17;
	s17 =	sadd.s32 $0x3, s16;
	[tilespmem:v11+s9+$0x0] =	vst.idx.add.f32.msk $0xffff, v30  }
.Ltmp1:
0x138: {  	v7 =	vbroadcast v7, $0x0;
	v8 =	vand.u32 $0xFFFFFFF2, v8;
	v9 =	vmov s17;
	s17 =	sadd.s32 $0x4, s16;
	[tilespmem:v12+s9+$0x0] =	vst.idx.add.f32.msk $0xffff, v31;
	(pc) =	sbr.rel @p0 .LBB2_4-.Ltmp1, $4  }
0x139: {  	v8 =	vbroadcast v8, $0x0;
	v9 =	vand.u32 $0xFFFFFFF3, v9;
	v10 =	vmov s17;
	s17 =	sadd.s32 $0x5, s16;
	[tilespmem:v13+s9+$0x0] =	vst.idx.add.f32.msk $0xffff, v32  }
0x13a: {  	v9 =	vbroadcast v9, $0x0;
	v10 =	vand.u32 $0xFFFFFFF4, v10;
	v11 =	vmov s17;
	s17 =	sadd.s32 $0x6, s16;
	[tilespmem:v14+s9+$0x0] =	vst.idx.add.f32.msk $0xffff, v33  }
0x13b: {  	v10 =	vbroadcast v10, $0x0;
	v11 =	vand.u32 $0xFFFFFFF5, v11;
	v12 =	vmov s17;
	s17 =	sadd.s32 $0x7, s16;
	[tilespmem:v5+s9+$0x0] =	vst.idx.add.f32.msk $0xffff, v34  }
0x13c: {  	s16 =	sadd.s32 $0x10, s16;
	v11 =	vbroadcast v11, $0x0;
	v12 =	vand.u32 $0xFFFFFFF6, v12;
	v13 =	vmov s17;
	s17 =	sadd.s32 $0xE, s15;
	v5 =	vld.idx.msk [tilespmem:v15+s8+$0x0], $0xffff  }
0x13d: {  	_ =	sdelay $0x3  }
0x13e: {  	v19 =	vld.idx.msk [tilespmem:v6+s8+$0x0], $0xffff  }
0x13f: {  	v7 =	vld.idx.msk [tilespmem:v7+s8+$0x0], $0xffff  }
0x140: {  	v8 =	vld.idx.msk [tilespmem:v8+s8+$0x0], $0xffff  }
0x141: {  	v9 =	vld.idx.msk [tilespmem:v9+s8+$0x0], $0xffff  }
0x142: {  	v10 =	vld.idx.msk [tilespmem:v10+s8+$0x0], $0xffff  }
0x143: {  	s13 =	sadd.s32 $0x400, s13;
	v11 =	vld.idx.msk [tilespmem:v11+s8+$0x0], $0xffff  }
0x144: {  	v22 =	vld [tilespmem:s13+$0x180]  }
0x145: {  	v23 =	vld [tilespmem:s13+$0xFFFFFE00]  }
0x146: {  	v24 =	vld [tilespmem:s13+$0xFFFFFE40]  }
0x147: {  	v56 =	vmov s17;
	v25 =	vld [tilespmem:s13+$0xFFFFFE80]  }
0x148: {  	v6 =	vbroadcast v12, $0x0;
	v55 =	vand.u32 $0xFFFFFFF7, v13;
	v13 =	vand.u32 $0xFFFFFFFE, v56;
	v26 =	vld [tilespmem:s13+$0xFFFFFEC0]  }
0x149: {  	v27 =	vld [tilespmem:s13+$0xFFFFFF00];
	v13 =	vbroadcast v13, $0x0  }
0x14a: {  	v28 =	vld [tilespmem:s13+$0xFFFFFF40]  }
0x14b: {  	v29 =	vld [tilespmem:s13+$0xFFFFFF80]  }
0x14c: {  	s18 =	sadd.s32 $0xB, s15;
	v30 =	vld [tilespmem:s13+$0xFFFFFFC0]  }
0x14d: {  	v17 =	vmov s18;
	v32 =	vld [tilespmem:s13+$0x0]  }
0x14e: {  	v17 =	vand.u32 $0xFFFFFFFB, v17;
	v20 =	vld.idx.msk [tilespmem:v6+s8+$0x0], $0xffff  }
0x14f: {  	s16 =	sadd.s32 $0x8, s15;
	v6 =	vbroadcast v17, $0x0;
	v13 =	vld.idx.msk [tilespmem:v13+s8+$0x0], $0xffff  }
0x150: {  	s19 =	sadd.s32 $0xC, s15;
	s20 =	sadd.s32 $0xD, s15;
	v12 =	vbroadcast v55, $0x0;
	v14 =	vmov s16;
	v33 =	vld [tilespmem:s13+$0x40]  }
0x151: {  	v18 =	vmov s19;
	v58 =	vmov s20;
	v34 =	vld [tilespmem:s13+$0x80];
	v14 =	vand.u32 $0xFFFFFFF8, v14  }
0x152: {  	v35 =	vld [tilespmem:s13+$0xC0];
	v57 =	vand.u32 $0xFFFFFFFC, v18;
	v18 =	vand.u32 $0xFFFFFFFD, v58;
	v14 =	vbroadcast v14, $0x0  }
0x153: {  	s31 =	sadd.s32 $0x9, s15;
	v37 =	vld [tilespmem:s13+$0x100];
	v18 =	vbroadcast v18, $0x0  }
0x154: {  	s17 =	sadd.s32 $0xA, s15;
	v15 =	vmov s31;
	v39 =	vld [tilespmem:s13+$0x140];
	v13 =	vshll.u32 v13, $0x6  }
0x155: {  	v16 =	vmov s17;
	v15 =	vand.u32 $0xFFFFFFF9, v15;
	v21 =	vld.idx.msk [tilespmem:v6+s8+$0x0], $0xffff;
	v6 =	vor.u32 v1, v13  }
0x156: {  	v41 =	vld [tilespmem:s13+$0x1C0];
	v16 =	vand.u32 $0xFFFFFFFA, v16;
	v15 =	vbroadcast v15, $0x0  }
0x157: {  	v16 =	vbroadcast v16, $0x0;
	v12 =	vld.idx.msk [tilespmem:v12+s8+$0x0], $0xffff  }
0x158: {  	v5 =	vshll.u32 v5, $0x6;
	v14 =	vld.idx.msk [tilespmem:v14+s8+$0x0], $0xffff  }
0x159: {  	v19 =	vshll.u32 v19, $0x6;
	v44 =	vor.u32 v1, v5;
	v18 =	vld.idx.msk [tilespmem:v18+s8+$0x0], $0xffff  }
0x15a: {  	v43 =	vor.u32 v1, v19;
	[tilespmem:v6+s9+$0x0] =	vst.idx.add.f32.msk $0xffff, v22  }
0x15b: {  	v59 =	vor.u32 v2, v13;
	v6 =	vld [tilespmem:s13+$0x190]  }
0x15c: {  	v17 =	vbroadcast v57, $0x0;
	v15 =	vld.idx.msk [tilespmem:v15+s8+$0x0], $0xffff  }
0x15d: {  	v16 =	vld.idx.msk [tilespmem:v16+s8+$0x0], $0xffff;
	v12 =	vshll.u32 v12, $0x6  }
0x15e: {  	[tilespmem:v44+s9+$0x0] =	vst.idx.add.f32.msk $0xffff, v41;
	v62 =	vor.u32 v1, v12;
	v18 =	vshll.u32 v18, $0x6  }
0x15f: {  	[tilespmem:v43+s9+$0x0] =	vst.idx.add.f32.msk $0xffff, v23;
	v42 =	vor.u32 v1, v18  }
0x160: {  	[tilespmem:v59+s9+$0x0] =	vst.idx.add.f32.msk $0xffff, v6  }
0x161: {  	v31 =	vor.u32 v3, v13;
	v6 =	vshll.u32 v7, $0x6;
	v22 =	vld [tilespmem:s13+$0x1A0]  }
0x162: {  	v17 =	vld.idx.msk [tilespmem:v17+s8+$0x0], $0xffff;
	v7 =	vshll.u32 v8, $0x6;
	v36 =	vor.u32 v1, v6  }
0x163: {  	s14 =	sadd.s32 $0x400, s14;
	[tilespmem:v62+s9+$0x0] =	vst.idx.add.f32.msk $0xffff, v30;
	v8 =	vshll.u32 v9, $0x6;
	v60 =	vor.u32 v1, v7  }
0x164: {  	s23 =	sor.u32 $0x50, s14;
	[tilespmem:v42+s9+$0x0] =	vst.idx.add.f32.msk $0xffff, v39;
	v9 =	vshll.u32 v10, $0x6;
	v38 =	vor.u32 v1, v8  }
0x165: {  	v42 =	vld [tilespmem:s23+$0x0];
	v10 =	vshll.u32 v11, $0x6;
	v40 =	vor.u32 v1, v9  }
0x166: {  	v11 =	vshll.u32 v20, $0x6;
	v61 =	vor.u32 v1, v10;
	[tilespmem:v31+s9+$0x0] =	vst.idx.add.f32.msk $0xffff, v22  }
0x167: {  	v20 =	vor.u32 v1, v11;
	[tilespmem:v36+s9+$0x0] =	vst.idx.add.f32.msk $0xffff, v24  }
0x168: {  	[tilespmem:v60+s9+$0x0] =	vst.idx.add.f32.msk $0xffff, v25  }
0x169: {  	[tilespmem:v38+s9+$0x0] =	vst.idx.add.f32.msk $0xffff, v26  }
0x16a: {  	[tilespmem:v40+s9+$0x0] =	vst.idx.add.f32.msk $0xffff, v27  }
0x16b: {  	[tilespmem:v61+s9+$0x0] =	vst.idx.add.f32.msk $0xffff, v28  }
0x16c: {  	[tilespmem:v20+s9+$0x0] =	vst.idx.add.f32.msk $0xffff, v29  }
0x16d: {  	s15 =	sadd.s32 $0xFFFFFC80, s14;
	v61 =	vld [tilespmem:s13+$0xFFFFFE10]  }
0x16e: {  	s21 =	sor.u32 $0x50, s15;
	v22 =	vld [tilespmem:s13+$0x1B0]  }
0x16f: {  	s16 =	sadd.s32 $0xFFFFFD00, s14;
	v45 =	vld [tilespmem:s21+$0x0]  }
0x170: {  	s22 =	sor.u32 $0x50, s16;
	v17 =	vshll.u32 v17, $0x6;
	v46 =	vld [tilespmem:s13+$0xFFFFFE90]  }
0x171: {  	s17 =	sadd.s32 $0xFFFFFD80, s14;
	v40 =	vor.u32 v1, v17;
	v47 =	vld [tilespmem:s22+$0x0]  }
0x172: {  	s18 =	sor.u32 $0x50, s17;
	v13 =	vor.u32 v4, v13;
	v48 =	vld [tilespmem:s13+$0xFFFFFF10]  }
0x173: {  	v49 =	vld [tilespmem:s18+$0x0];
	s18 =	sadd.s32 $0xFFFFFE00, s14  }
0x174: {  	v55 =	vor.u32 v2, v6;
	v50 =	vld [tilespmem:s13+$0xFFFFFF90];
	s19 =	sor.u32 $0x50, s18  }
0x175: {  	v57 =	vor.u32 v2, v7;
	v51 =	vld [tilespmem:s19+$0x0]  }
0x176: {  	v59 =	vor.u32 v2, v8;
	[tilespmem:v40+s9+$0x0] =	vst.idx.add.f32.msk $0xffff, v37  }
0x177: {  	v62 =	vor.u32 v2, v9;
	[tilespmem:v13+s9+$0x0] =	vst.idx.add.f32.msk $0xffff, v22  }
0x178: {  	v43 =	vor.u32 v2, v11;
	v58 =	vld [tilespmem:s13+$0x110]  }
0x179: {  	[tilespmem:v55+s9+$0x0] =	vst.idx.add.f32.msk $0xffff, v45  }
0x17a: {  	v44 =	vor.u32 v2, v12;
	[tilespmem:v57+s9+$0x0] =	vst.idx.add.f32.msk $0xffff, v46  }
0x17b: {  	v13 =	vshll.u32 v14, $0x6;
	[tilespmem:v59+s9+$0x0] =	vst.idx.add.f32.msk $0xffff, v47  }
0x17c: {  	v14 =	vshll.u32 v15, $0x6;
	[tilespmem:v62+s9+$0x0] =	vst.idx.add.f32.msk $0xffff, v48;
	v63 =	vor.u32 v1, v13  }
0x17d: {  	s25 =	sor.u32 $0x60, s16;
	v15 =	vshll.u32 v16, $0x6;
	[tilespmem:v43+s9+$0x0] =	vst.idx.add.f32.msk $0xffff, v50;
	v31 =	vor.u32 v1, v14  }
0x17e: {  	v16 =	vshll.u32 v21, $0x6;
	v36 =	vor.u32 v1, v15;
	v55 =	vld [tilespmem:s25+$0x0]  }
0x17f: {  	s28 =	sor.u32 $0x60, s18;
	v38 =	vor.u32 v1, v16;
	[tilespmem:v44+s9+$0x0] =	vst.idx.add.f32.msk $0xffff, v51  }
0x180: {  	v26 =	vld [tilespmem:s28+$0x0]  }
0x181: {  	[tilespmem:v63+s9+$0x0] =	vst.idx.add.f32.msk $0xffff, v32  }
0x182: {  	[tilespmem:v31+s9+$0x0] =	vst.idx.add.f32.msk $0xffff, v33  }
0x183: {  	v51 =	vor.u32 v2, v19;
	[tilespmem:v36+s9+$0x0] =	vst.idx.add.f32.msk $0xffff, v34  }
0x184: {  	s19 =	sadd.s32 $0xFFFFFE80, s14;
	[tilespmem:v38+s9+$0x0] =	vst.idx.add.f32.msk $0xffff, v35  }
0x185: {  	s20 =	sor.u32 $0x50, s19;
	v52 =	vld [tilespmem:s13+$0x10]  }
0x186: {  	v53 =	vld [tilespmem:s20+$0x0]  }
0x187: {  	v63 =	vor.u32 v2, v10;
	s20 =	sadd.s32 $0xFFFFFF00, s14;
	v54 =	vld [tilespmem:s13+$0x90]  }
0x188: {  	v32 =	vor.u32 v3, v12;
	[tilespmem:v51+s9+$0x0] =	vst.idx.add.f32.msk $0xffff, v61;
	s21 =	sor.u32 $0x50, s20  }
0x189: {  	v45 =	vor.u32 v2, v13;
	v56 =	vld [tilespmem:s21+$0x0];
	s21 =	sadd.s32 $0xFFFFFF80, s14  }
0x18a: {  	v46 =	vor.u32 v2, v14;
	v36 =	vld [tilespmem:s13+$0xFFFFFE20];
	s22 =	sor.u32 $0x50, s21  }
0x18b: {  	v47 =	vor.u32 v2, v15;
	v60 =	vld [tilespmem:s22+$0x0]  }
0x18c: {  	[tilespmem:v63+s9+$0x0] =	vst.idx.add.f32.msk $0xffff, v49  }
0x18d: {  	[tilespmem:v32+s9+$0x0] =	vst.idx.add.f32.msk $0xffff, v26  }
0x18e: {  	[tilespmem:v45+s9+$0x0] =	vst.idx.add.f32.msk $0xffff, v52  }
0x18f: {  	v61 =	vor.u32 v3, v8;
	[tilespmem:v46+s9+$0x0] =	vst.idx.add.f32.msk $0xffff, v53  }
0x190: {  	s24 =	sor.u32 $0x60, s15;
	[tilespmem:v47+s9+$0x0] =	vst.idx.add.f32.msk $0xffff, v54  }
0x191: {  	v53 =	vld [tilespmem:s24+$0x0]  }
0x192: {  	s26 =	sor.u32 $0x60, s17;
	v54 =	vld [tilespmem:s13+$0xFFFFFEA0]  }
0x193: {  	v57 =	vld [tilespmem:s26+$0x0]  }
0x194: {  	v48 =	vor.u32 v2, v16;
	[tilespmem:v61+s9+$0x0] =	vst.idx.add.f32.msk $0xffff, v55  }
0x195: {  	s29 =	sor.u32 $0x60, s19;
	v27 =	vld [tilespmem:s13+$0x20]  }
0x196: {  	v28 =	vld [tilespmem:s29+$0x0]  }
0x197: {  	v49 =	vor.u32 v2, v17;
	s26 =	sor.u32 $0x70, s18;
	v29 =	vld [tilespmem:s13+$0xA0]  }
0x198: {  	v50 =	vor.u32 v2, v18;
	v26 =	vld [tilespmem:s26+$0x0]  }
0x199: {  	[tilespmem:v48+s9+$0x0] =	vst.idx.add.f32.msk $0xffff, v56  }
0x19a: {  	s30 =	sor.u32 $0x60, s20;
	v56 =	vld [tilespmem:s13+$0xFFFFFF20]  }
0x19b: {  	v52 =	vor.u32 v2, v5;
	v31 =	vld [tilespmem:s30+$0x0]  }
0x19c: {  	[tilespmem:v49+s9+$0x0] =	vst.idx.add.f32.msk $0xffff, v58  }
0x19d: {  	[tilespmem:v50+s9+$0x0] =	vst.idx.add.f32.msk $0xffff, v60  }
0x19e: {  	v59 =	vor.u32 v3, v6;
	s24 =	sor.u32 $0x70, s16;
	v58 =	vld [tilespmem:s13+$0xFFFFFFA0]  }
0x19f: {  	v63 =	vor.u32 v3, v10;
	v50 =	vld [tilespmem:s24+$0x0]  }
0x1a0: {  	v46 =	vor.u32 v3, v19;
	[tilespmem:v52+s9+$0x0] =	vst.idx.add.f32.msk $0xffff, v42  }
0x1a1: {  	s31 =	sor.u32 $0x60, s21;
	v33 =	vld [tilespmem:s13+$0x120]  }
0x1a2: {  	v40 =	vor.u32 v3, v13;
	v35 =	vld [tilespmem:s31+$0x0]  }
0x1a3: {  	v41 =	vor.u32 v3, v14;
	[tilespmem:v59+s9+$0x0] =	vst.idx.add.f32.msk $0xffff, v53  }
0x1a4: {  	[tilespmem:v63+s9+$0x0] =	vst.idx.add.f32.msk $0xffff, v57  }
0x1a5: {  	s23 =	sor.u32 $0x60, s14;
	[tilespmem:v46+s9+$0x0] =	vst.idx.add.f32.msk $0xffff, v36  }
0x1a6: {  	v39 =	vld [tilespmem:s23+$0x0]  }
0x1a7: {  	v62 =	vor.u32 v3, v9;
	[tilespmem:v40+s9+$0x0] =	vst.idx.add.f32.msk $0xffff, v27  }
0x1a8: {  	s15 =	sor.u32 $0x70, s15;
	[tilespmem:v41+s9+$0x0] =	vst.idx.add.f32.msk $0xffff, v28  }
0x1a9: {  	s25 =	sor.u32 $0x70, s17;
	v48 =	vld [tilespmem:s15+$0x0]  }
0x1aa: {  	v43 =	vor.u32 v3, v16;
	v52 =	vld [tilespmem:s25+$0x0]  }
0x1ab: {  	v57 =	vld [tilespmem:s13+$0xFFFFFE30]  }
0x1ac: {  	v60 =	vor.u32 v3, v7;
	[tilespmem:v62+s9+$0x0] =	vst.idx.add.f32.msk $0xffff, v56  }
0x1ad: {  	v30 =	vor.u32 v3, v11;
	s28 =	sor.u32 $0x70, s19;
	v27 =	vld [tilespmem:s13+$0x30]  }
0x1ae: {  	v28 =	vld [tilespmem:s28+$0x0]  }
0x1af: {  	v8 =	vor.u32 v4, v8;
	[tilespmem:v43+s9+$0x0] =	vst.idx.add.f32.msk $0xffff, v31  }
0x1b0: {  	v42 =	vor.u32 v3, v15;
	v51 =	vld [tilespmem:s13+$0xFFFFFF30]  }
0x1b1: {  	v44 =	vor.u32 v3, v17;
	[tilespmem:v60+s9+$0x0] =	vst.idx.add.f32.msk $0xffff, v54  }
0x1b2: {  	v45 =	vor.u32 v3, v18;
	s29 =	sor.u32 $0x70, s20;
	[tilespmem:v30+s9+$0x0] =	vst.idx.add.f32.msk $0xffff, v58  }
0x1b3: {  	v54 =	vld [tilespmem:s29+$0x0]  }
0x1b4: {  	[tilespmem:v8+s9+$0x0] =	vst.idx.add.f32.msk $0xffff, v50  }
0x1b5: {  	v47 =	vor.u32 v3, v5;
	[tilespmem:v42+s9+$0x0] =	vst.idx.add.f32.msk $0xffff, v29  }
0x1b6: {  	[tilespmem:v44+s9+$0x0] =	vst.idx.add.f32.msk $0xffff, v33  }
0x1b7: {  	[tilespmem:v45+s9+$0x0] =	vst.idx.add.f32.msk $0xffff, v35  }
0x1b8: {  	v49 =	vld [tilespmem:s13+$0xFFFFFEB0]  }
0x1b9: {  	v6 =	vor.u32 v4, v6;
	v53 =	vld [tilespmem:s13+$0xFFFFFFB0]  }
0x1ba: {  	v10 =	vor.u32 v4, v10;
	[tilespmem:v47+s9+$0x0] =	vst.idx.add.f32.msk $0xffff, v39  }
0x1bb: {  	v63 =	vor.u32 v4, v19;
	v29 =	vld [tilespmem:s13+$0xB0]  }
0x1bc: {  	s30 =	sor.u32 $0x70, s21;
	v55 =	vld [tilespmem:s13+$0x130]  }
0x1bd: {  	v7 =	vor.u32 v4, v7;
	v56 =	vld [tilespmem:s30+$0x0]  }
0x1be: {  	v59 =	vor.u32 v4, v13;
	[tilespmem:v6+s9+$0x0] =	vst.idx.add.f32.msk $0xffff, v48  }
0x1bf: {  	v9 =	vor.u32 v4, v9;
	[tilespmem:v10+s9+$0x0] =	vst.idx.add.f32.msk $0xffff, v52  }
0x1c0: {  	s31 =	sor.u32 $0x70, s14;
	v60 =	vor.u32 v4, v14;
	[tilespmem:v63+s9+$0x0] =	vst.idx.add.f32.msk $0xffff, v57  }
0x1c1: {  	v6 =	vor.u32 v4, v11;
	v58 =	vld [tilespmem:s31+$0x0]  }
0x1c2: {  	[tilespmem:v7+s9+$0x0] =	vst.idx.add.f32.msk $0xffff, v49;
	v7 =	vor.u32 v4, v12  }
0x1c3: {  	v61 =	vor.u32 v4, v15;
	[tilespmem:v59+s9+$0x0] =	vst.idx.add.f32.msk $0xffff, v27  }
0x1c4: {  	v62 =	vor.u32 v4, v18;
	[tilespmem:v9+s9+$0x0] =	vst.idx.add.f32.msk $0xffff, v51  }
0x1c5: {  	v5 =	vor.u32 v4, v5;
	[tilespmem:v60+s9+$0x0] =	vst.idx.add.f32.msk $0xffff, v28  }
0x1c6: {  	[tilespmem:v6+s9+$0x0] =	vst.idx.add.f32.msk $0xffff, v53;
	v6 =	vor.u32 v4, v16  }
0x1c7: {  	[tilespmem:v7+s9+$0x0] =	vst.idx.add.f32.msk $0xffff, v26;
	v7 =	vor.u32 v4, v17  }
0x1c8: {  	[tilespmem:v61+s9+$0x0] =	vst.idx.add.f32.msk $0xffff, v29  }
0x1c9: {  	[tilespmem:v62+s9+$0x0] =	vst.idx.add.f32.msk $0xffff, v56  }
0x1ca: {  	s12 =	sadd.s32 $0x1, s12;
	[tilespmem:v5+s9+$0x0] =	vst.idx.add.f32.msk $0xffff, v58  }
0x1cb: {  	p0 =	sne.s32 s12, s6;
	[tilespmem:v6+s9+$0x0] =	vst.idx.add.f32.msk $0xffff, v54  }
.Ltmp2:
0x1cc: {  	[tilespmem:v7+s9+$0x0] =	vst.idx.add.f32.msk $0xffff, v55;
	(pc) =	sbr.rel @p0 .LBB2_1-.Ltmp2, $4  }
0x1cd: {  	[hbm4b:s5+s10] =	stream.strided.scatter [tilespmem:s9], [sflag:$0x1], $0x1000, s11, s10, $0x38;
	[tilespmem:$0x11400] =	vst v63  }
0x1ce: {  	_ =	swait.ge [sflag:s7], $0x1000  }
0x1cf: {  	[sflag:s7] =	ssyncset.done $0x0  }
0x1d0: {  	[sflag:s7] =	ssyncadd.s32 $0xFFFFF000  }
0x1d1: {  	_ =	sfence.sel $0x180000  }
0x1d2: {  	[bflag:$0x0] =	sbarrier.arrive $0xFFFF  }
0x1d3: {  	p0 =	sne.s32 s0, $0x0;
	_ =	strace $0x90000047  }
0x1d4: {  	s0 =	sadd.s32 @!p0 $0x100000, s1;
	[bflag:$0x2] =	sbarrier.arrive $0xFFFF  }
0x1d5: {  	[sflag:s0] =	ssyncadd.tile.s32 @!p0 $0x1;
	_ =	shalt  }
.Lfunc_end2:
_tile_overlayer_lowered:
.L_overlay_start_2:
0x1d6: {  	(tag) =	ssettag $0x2  }
0x1d7: {  	s0 =	rddreg [dreg:$0x0];
	s2 =	stileid.u32  }
0x1d8: {  	s1 =	rddreg [dreg:$0x1];
	p0 =	sne.s32 s2, $0x0  }
0x1d9: {  	s3 =	rddreg [dreg:$0x2];
	[bflag:$0x3] =	sbarrier.arrive $0xFFFF;
	s2 =	simm.s32 @!p0 $0x1C01  }
0x1da: {  	[timem:s3], [sflag:s2] =	dma.local @!p0 [hbm:s0], s1  }
0x1db: {  	s0 =	simm.s32 @!p0 $0x1  }
0x1dc: {  	_ =	swait.ge @!p0 [sflag:s0], s1  }
0x1dd: {  	s1 =	ssub.s32 @!p0 $0x0, s1;
	[sflag:s0] =	ssyncset.done @!p0 $0x0  }
0x1de: {  	[sflag:s0] =	ssyncadd.s32 @!p0 s1  }
0x1df: {  	[bflag:$0x3] =	sbarrier.arrive $0xFFFF  }
0x1e0: {  	_ =	shalt  }

</sc_bundles>
